<compile_context>
chip_gen: v7x
topology: tpu7x:2x2x1
jax: 0.10.2.dev20260603
libtpu: 0.0.44.dev20260713+nightly
codegen_flags: <defaults>
</compile_context>

<pallas_src>
import functools

import jax
import jax.numpy as jnp
from jax import lax
from jax.experimental import pallas as pl
from jax.experimental.pallas import tpu as pltpu
from jax.experimental.pallas import tpu_sc as plsc

C = 80
GY, GX = 128, 128
NUM_POINTS = 249216
NUM_GRIDS = GY * GX

NC, NS, L = 2, 16, 16
NW = NC * NS
UNROLL = 4
CHUNK = 7808
NPAD = NW * CHUNK
NVREG = CHUNK // L
PRIV = 16512
VPT = NUM_GRIDS // NW

_mesh = plsc.VectorSubcoreMesh(
    core_axis_name="c", subcore_axis_name="s", num_cores=NC, num_subcores=NS
)


def _wid():
    return lax.axis_index("s") * NC + lax.axis_index("c")


@functools.partial(
    pl.kernel,
    out_type=jax.ShapeDtypeStruct((NW * NUM_GRIDS,), jnp.int32),
    mesh=_mesh,
    scratch_types=[
        pltpu.VMEM((CHUNK,), jnp.int32),
        pltpu.VMEM((PRIV,), jnp.int32),
        pltpu.VMEM((UNROLL * L,), jnp.int32),
    ],
    compiler_params=pltpu.CompilerParams(needs_layout_passes=False),
)
def _k1_scatter_max(coor_hbm, win_hbm, cvm, priv, sh):
    wid = _wid()
    base = wid * CHUNK
    pltpu.sync_copy(coor_hbm.at[pl.ds(base, CHUNK)], cvm)

    iota = lax.iota(jnp.int32, L)
    neg1 = jnp.full((L,), -1, jnp.int32)

    def init_body(i, carry):
        for u in range(8):
            priv[pl.ds((i * 8 + u) * L, L)] = neg1
        return carry

    lax.fori_loop(0, PRIV // (8 * L), init_body, 0)

    shm1 = jnp.maximum(iota - 1, 0)
    mge1 = iota >= 1
    is_last_lane = iota == L - 1

    def body(k, carry):
        for u in range(UNROLL):
            kk = k * UNROLL + u
            c16 = cvm[pl.ds(kk * L, L)]
            gidx = base + kk * L + iota
            key = c16 * L + iota
            ks, vs = plsc.sort_key_val(key, gidx)
            cs = lax.shift_right_logical(ks, 4)
            plsc.store_scatter(sh, [shm1 + u * L], cs, mask=mge1)
            nxt = sh[pl.ds(u * L, L)]
            last = jnp.logical_or(cs != nxt, is_last_lane)
            plsc.store_scatter(priv, [cs], vs, mask=last)
        return carry

    lax.fori_loop(0, NVREG // UNROLL, body, 0)
    pltpu.sync_copy(priv.at[pl.ds(0, NUM_GRIDS)],
                    win_hbm.at[pl.ds(wid * NUM_GRIDS, NUM_GRIDS)])


@functools.partial(
    pl.kernel,
    out_type=(
        jax.ShapeDtypeStruct((NUM_GRIDS, C), jnp.float32),
        jax.ShapeDtypeStruct((NUM_GRIDS,), jnp.int32),
    ),
    mesh=_mesh,
    scratch_types=[
        pltpu.VMEM((NW * VPT,), jnp.int32),
        pltpu.VMEM((VPT,), jnp.int32),
        pltpu.VMEM((VPT, C), jnp.float32),
        pltpu.SemaphoreType.DMA,
        pltpu.SemaphoreType.DMA,
    ],
    compiler_params=pltpu.CompilerParams(needs_layout_passes=False),
)
def _k2_merge_gather(win_hbm, feat_hbm, g_hbm, winner_hbm, slab, wvm,
                     rows, sem, gsem):
    wid = _wid()
    vbase = wid * VPT

    for t in range(NW):
        pltpu.async_copy(win_hbm.at[pl.ds(t * NUM_GRIDS + vbase, VPT)],
                         slab.at[pl.ds(t * VPT, VPT)], sem)
    pltpu.make_async_copy(win_hbm.at[pl.ds(0, NW * VPT)], slab, sem).wait()

    def merge_body(j, carry):
        m = slab[pl.ds(j * L, L)]
        for t in range(1, NW):
            m = jnp.maximum(m, slab[pl.ds(t * VPT + j * L, L)])
        wvm[pl.ds(j * L, L)] = m
        return carry

    lax.fori_loop(0, VPT // L, merge_body, 0)

    def gather_body(j, carry):
        iv = jnp.maximum(wvm[pl.ds(j * L, L)], 0)
        for q in range(L):
            pltpu.async_copy(feat_hbm.at[pl.ds(iv[q], 1)],
                             rows.at[pl.ds(j * L + q, 1)], gsem)
        return carry

    lax.fori_loop(0, VPT // L, gather_body, 0)
    pltpu.make_async_copy(feat_hbm.at[pl.ds(0, VPT)], rows, gsem).wait()

    pltpu.sync_copy(rows, g_hbm.at[pl.ds(vbase, VPT)])
    pltpu.sync_copy(wvm, winner_hbm.at[pl.ds(vbase, VPT)])


def _k3_body(g_ref, w_ref, o_ref):
    g = g_ref[...]
    w = w_ref[0]
    gt = jnp.transpose(g, (1, 0))
    o_ref[...] = jnp.where(w >= 0, gt, jnp.float32(0.0))


_NBLK = 16
_BV = NUM_GRIDS // _NBLK

_k3_transpose = pl.pallas_call(
    _k3_body,
    grid=(_NBLK,),
    in_specs=[
        pl.BlockSpec((_BV, C), lambda i: (i, 0)),
        pl.BlockSpec((1, 1, _BV), lambda i: (i, 0, 0)),
    ],
    out_specs=pl.BlockSpec((C, _BV), lambda i: (0, i)),
    out_shape=jax.ShapeDtypeStruct((C, NUM_GRIDS), jnp.float32),
)


@jax.jit
def kernel(feat, bev_feat, lidar_coor_1d):
    del bev_feat
    coor = lidar_coor_1d.astype(jnp.int32)
    pad = jnp.full((NPAD - NUM_POINTS,), NUM_GRIDS, jnp.int32)
    coor = jnp.concatenate([coor, pad])
    winners = _k1_scatter_max(coor)
    g, winner = _k2_merge_gather(winners, feat)
    out = _k3_transpose(g, winner.reshape(_NBLK, 1, _BV))
    return out.reshape(1, C, GY, GX)

# --- scband reference (transcript-rebuilt; emitter-appended) ---
"""Pipeline reference for scband-bevdet-export-model-635655160580 (READ-ONLY COPY).

The authoritative reference and input builder live on the scoring server;
editing this copy changes nothing except your own understanding.
"""

import jax, jax.numpy as jnp
import numpy as np

# BEVDet view-transform scatter core (view_transform_branch_TIDL):
#   bev_feat.index_put_((lidar_coor_1d,), feat, accumulate=False)  -> scatter-overwrite
#   slice off sentinel row, reshape to (1, Z, Y, X, C), permute to (1, C, Z, Y, X),
#   then torch.cat(unbind(dim=2), 1) -> fold Z into channels.

N_CAMS = 6
D = 59
FH, FW = 16, 44
C = 80
GX, GY, GZ = 128, 128, 1
NUM_POINTS = N_CAMS * D * FH * FW  # 249216
NUM_GRIDS = GZ * GY * GX           # 16384


def setup_inputs(seed: int = 0) -> dict:
    key = jax.random.key(seed)
    k1, k2 = jax.random.split(key)
    feat = jax.random.normal(k1, (NUM_POINTS, C), dtype=jnp.float32)
    bev_feat = jnp.zeros((NUM_GRIDS + 1, C), dtype=jnp.float32)
    # valid voxel ids in [0, NUM_GRIDS); value NUM_GRIDS is the sentinel row for
    # out-of-range points (matches the torch code's coor_1d[...] = num_grids)
    lidar_coor_1d = jax.random.randint(k2, (NUM_POINTS,), 0, NUM_GRIDS + 1, dtype=jnp.int64)
    return {"feat": feat, "bev_feat": bev_feat, "lidar_coor_1d": lidar_coor_1d}


def reference(feat, bev_feat, lidar_coor_1d):
    # scatter-overwrite (index_put_ with accumulate=False)
    bev = bev_feat.at[lidar_coor_1d].set(feat)
    # drop sentinel row
    bev = bev[:NUM_GRIDS, :]
    # (1, Z, Y, X, C) -> (1, C, Z, Y, X)
    bev = bev.reshape(1, GZ, GY, GX, C)
    bev = jnp.transpose(bev, (0, 4, 1, 2, 3))
    # torch.cat(bev.unbind(dim=2), 1): fold Z slices into channel dim
    bev = jnp.concatenate([bev[:, :, i, :, :] for i in range(GZ)], axis=1)
    return bev  # (1, C*GZ, GY, GX) = (1, 80, 128, 128)

if __name__ == "__main__":
    import jax
    _d = setup_inputs()
    print(jax.jit(kernel)(*tuple(_d.values())))

</pallas_src>

<mosaic_0001>
#map = affine_map<(d0, d1) -> (0)>
#map1 = affine_map<(d0, d1) -> (0, 0)>
module attributes {stable_mosaic.version = 14 : i64} {
  func.func @_k2_merge_gather(%arg0: i32, %arg1: i32, %arg2: memref<524288xi32, #tpu.memory_space<hbm>>, %arg3: memref<249216x80xf32, #tpu.memory_space<hbm>>, %arg4: memref<16384x80xf32, #tpu.memory_space<hbm>>, %arg5: memref<16384xi32, #tpu.memory_space<hbm>>, %arg6: memref<16384xi32, #tpu.memory_space<vmem>>, %arg7: memref<512xi32, #tpu.memory_space<vmem>>, %arg8: memref<512x80xf32, #tpu.memory_space<vmem>>, %arg9: memref<!tpu.dma_semaphore, #tpu.memory_space<semaphore_mem>>, %arg10: memref<!tpu.dma_semaphore, #tpu.memory_space<semaphore_mem>>) attributes {dimension_semantics = [#tpu.dimension_semantics<core_parallel>, #tpu.dimension_semantics<subcore_parallel>], iteration_bounds = array<i64: 2, 16>, scalar_prefetch = 0 : i64, scratch_operands = 5 : i64, tpu.core_type = #tpu.core_type<sc_vector_subcore>, window_params = [{transform_indices = #map}, {transform_indices = #map1}, {transform_indices = #map1}, {transform_indices = #map}]} {
    %mul3A = arith.constant 2 : i32
    %mul3A_0 = arith.muli %arg1, %mul3A : i32
    %add3A = arith.addi %mul3A_0, %arg0 : i32
    %mul3A_1 = arith.constant 512 : i32
    %mul3A_2 = arith.muli %add3A, %mul3A_1 : i32
    %add3A_3 = arith.constant 0 : i32
    %add3A_4 = arith.addi %add3A_3, %mul3A_2 : i32
    %dma_start3A = arith.constant 0 : i32
    %dma_start3A_5 = tpu.memref_slice %arg6[%dma_start3A] : memref<16384xi32, #tpu.memory_space<vmem>> -> memref<512xi32, #tpu.memory_space<vmem>>
    %dma_start3A_6 = tpu.memref_slice %arg2[%add3A_4] : memref<524288xi32, #tpu.memory_space<hbm>> -> memref<512xi32, #tpu.memory_space<hbm>>
    %dma_start3A_7 = arith.constant 0 : i32
    %dma_start3A_8 = tpu.memref_slice %arg6[%dma_start3A_7] : memref<16384xi32, #tpu.memory_space<vmem>> -> memref<512xi32, #tpu.memory_space<vmem>>
    %dma_start3A_9 = tpu.memref_slice %arg2[%add3A_4] : memref<524288xi32, #tpu.memory_space<hbm>> -> memref<512xi32, #tpu.memory_space<hbm>>
    tpu.enqueue_dma source(%dma_start3A_9 : memref<512xi32, #tpu.memory_space<hbm>>) target(%dma_start3A_8 : memref<512xi32, #tpu.memory_space<vmem>>) target_semaphore(%arg9 : memref<!tpu.dma_semaphore, #tpu.memory_space<semaphore_mem>>)
    %add3A_10 = arith.constant 16384 : i32
    %add3A_11 = arith.addi %add3A_10, %mul3A_2 : i32
    %dma_start3A_12 = arith.constant 512 : i32
    %dma_start3A_13 = tpu.memref_slice %arg6[%dma_start3A_12] : memref<16384xi32, #tpu.memory_space<vmem>> -> memref<512xi32, #tpu.memory_space<vmem>>
    %dma_start3A_14 = tpu.memref_slice %arg2[%add3A_11] : memref<524288xi32, #tpu.memory_space<hbm>> -> memref<512xi32, #tpu.memory_space<hbm>>
    %dma_start3A_15 = arith.constant 512 : i32
    %dma_start3A_16 = tpu.memref_slice %arg6[%dma_start3A_15] : memref<16384xi32, #tpu.memory_space<vmem>> -> memref<512xi32, #tpu.memory_space<vmem>>
    %dma_start3A_17 = tpu.memref_slice %arg2[%add3A_11] : memref<524288xi32, #tpu.memory_space<hbm>> -> memref<512xi32, #tpu.memory_space<hbm>>
    tpu.enqueue_dma source(%dma_start3A_17 : memref<512xi32, #tpu.memory_space<hbm>>) target(%dma_start3A_16 : memref<512xi32, #tpu.memory_space<vmem>>) target_semaphore(%arg9 : memref<!tpu.dma_semaphore, #tpu.memory_space<semaphore_mem>>)
    %add3A_18 = arith.constant 32768 : i32
    %add3A_19 = arith.addi %add3A_18, %mul3A_2 : i32
    %dma_start3A_20 = arith.constant 1024 : i32
    %dma_start3A_21 = tpu.memref_slice %arg6[%dma_start3A_20] : memref<16384xi32, #tpu.memory_space<vmem>> -> memref<512xi32, #tpu.memory_space<vmem>>
    %dma_start3A_22 = tpu.memref_slice %arg2[%add3A_19] : memref<524288xi32, #tpu.memory_space<hbm>> -> memref<512xi32, #tpu.memory_space<hbm>>
    %dma_start3A_23 = arith.constant 1024 : i32
    %dma_start3A_24 = tpu.memref_slice %arg6[%dma_start3A_23] : memref<16384xi32, #tpu.memory_space<vmem>> -> memref<512xi32, #tpu.memory_space<vmem>>
    %dma_start3A_25 = tpu.memref_slice %arg2[%add3A_19] : memref<524288xi32, #tpu.memory_space<hbm>> -> memref<512xi32, #tpu.memory_space<hbm>>
    tpu.enqueue_dma source(%dma_start3A_25 : memref<512xi32, #tpu.memory_space<hbm>>) target(%dma_start3A_24 : memref<512xi32, #tpu.memory_space<vmem>>) target_semaphore(%arg9 : memref<!tpu.dma_semaphore, #tpu.memory_space<semaphore_mem>>)
    %add3A_26 = arith.constant 49152 : i32
    %add3A_27 = arith.addi %add3A_26, %mul3A_2 : i32
    %dma_start3A_28 = arith.constant 1536 : i32
    %dma_start3A_29 = tpu.memref_slice %arg6[%dma_start3A_28] : memref<16384xi32, #tpu.memory_space<vmem>> -> memref<512xi32, #tpu.memory_space<vmem>>
    %dma_start3A_30 = tpu.memref_slice %arg2[%add3A_27] : memref<524288xi32, #tpu.memory_space<hbm>> -> memref<512xi32, #tpu.memory_space<hbm>>
    %dma_start3A_31 = arith.constant 1536 : i32
    %dma_start3A_32 = tpu.memref_slice %arg6[%dma_start3A_31] : memref<16384xi32, #tpu.memory_space<vmem>> -> memref<512xi32, #tpu.memory_space<vmem>>
    %dma_start3A_33 = tpu.memref_slice %arg2[%add3A_27] : memref<524288xi32, #tpu.memory_space<hbm>> -> memref<512xi32, #tpu.memory_space<hbm>>
    tpu.enqueue_dma source(%dma_start3A_33 : memref<512xi32, #tpu.memory_space<hbm>>) target(%dma_start3A_32 : memref<512xi32, #tpu.memory_space<vmem>>) target_semaphore(%arg9 : memref<!tpu.dma_semaphore, #tpu.memory_space<semaphore_mem>>)
    %add3A_34 = arith.constant 65536 : i32
    %add3A_35 = arith.addi %add3A_34, %mul3A_2 : i32
    %dma_start3A_36 = arith.constant 2048 : i32
    %dma_start3A_37 = tpu.memref_slice %arg6[%dma_start3A_36] : memref<16384xi32, #tpu.memory_space<vmem>> -> memref<512xi32, #tpu.memory_space<vmem>>
    %dma_start3A_38 = tpu.memref_slice %arg2[%add3A_35] : memref<524288xi32, #tpu.memory_space<hbm>> -> memref<512xi32, #tpu.memory_space<hbm>>
    %dma_start3A_39 = arith.constant 2048 : i32
    %dma_start3A_40 = tpu.memref_slice %arg6[%dma_start3A_39] : memref<16384xi32, #tpu.memory_space<vmem>> -> memref<512xi32, #tpu.memory_space<vmem>>
    %dma_start3A_41 = tpu.memref_slice %arg2[%add3A_35] : memref<524288xi32, #tpu.memory_space<hbm>> -> memref<512xi32, #tpu.memory_space<hbm>>
    tpu.enqueue_dma source(%dma_start3A_41 : memref<512xi32, #tpu.memory_space<hbm>>) target(%dma_start3A_40 : memref<512xi32, #tpu.memory_space<vmem>>) target_semaphore(%arg9 : memref<!tpu.dma_semaphore, #tpu.memory_space<semaphore_mem>>)
    %add3A_42 = arith.constant 81920 : i32
    %add3A_43 = arith.addi %add3A_42, %mul3A_2 : i32
    %dma_start3A_44 = arith.constant 2560 : i32
    %dma_start3A_45 = tpu.memref_slice %arg6[%dma_start3A_44] : memref<16384xi32, #tpu.memory_space<vmem>> -> memref<512xi32, #tpu.memory_space<vmem>>
    %dma_start3A_46 = tpu.memref_slice %arg2[%add3A_43] : memref<524288xi32, #tpu.memory_space<hbm>> -> memref<512xi32, #tpu.memory_space<hbm>>
    %dma_start3A_47 = arith.constant 2560 : i32
    %dma_start3A_48 = tpu.memref_slice %arg6[%dma_start3A_47] : memref<16384xi32, #tpu.memory_space<vmem>> -> memref<512xi32, #tpu.memory_space<vmem>>
    %dma_start3A_49 = tpu.memref_slice %arg2[%add3A_43] : memref<524288xi32, #tpu.memory_space<hbm>> -> memref<512xi32, #tpu.memory_space<hbm>>
    tpu.enqueue_dma source(%dma_start3A_49 : memref<512xi32, #tpu.memory_space<hbm>>) target(%dma_start3A_48 : memref<512xi32, #tpu.memory_space<vmem>>) target_semaphore(%arg9 : memref<!tpu.dma_semaphore, #tpu.memory_space<semaphore_mem>>)
    %add3A_50 = arith.constant 98304 : i32
    %add3A_51 = arith.addi %add3A_50, %mul3A_2 : i32
    %dma_start3A_52 = arith.constant 3072 : i32
    %dma_start3A_53 = tpu.memref_slice %arg6[%dma_start3A_52] : memref<16384xi32, #tpu.memory_space<vmem>> -> memref<512xi32, #tpu.memory_space<vmem>>
    %dma_start3A_54 = tpu.memref_slice %arg2[%add3A_51] : memref<524288xi32, #tpu.memory_space<hbm>> -> memref<512xi32, #tpu.memory_space<hbm>>
    %dma_start3A_55 = arith.constant 3072 : i32
    %dma_start3A_56 = tpu.memref_slice %arg6[%dma_start3A_55] : memref<16384xi32, #tpu.memory_space<vmem>> -> memref<512xi32, #tpu.memory_space<vmem>>
    %dma_start3A_57 = tpu.memref_slice %arg2[%add3A_51] : memref<524288xi32, #tpu.memory_space<hbm>> -> memref<512xi32, #tpu.memory_space<hbm>>
    tpu.enqueue_dma source(%dma_start3A_57 : memref<512xi32, #tpu.memory_space<hbm>>) target(%dma_start3A_56 : memref<512xi32, #tpu.memory_space<vmem>>) target_semaphore(%arg9 : memref<!tpu.dma_semaphore, #tpu.memory_space<semaphore_mem>>)
    %add3A_58 = arith.constant 114688 : i32
    %add3A_59 = arith.addi %add3A_58, %mul3A_2 : i32
    %dma_start3A_60 = arith.constant 3584 : i32
    %dma_start3A_61 = tpu.memref_slice %arg6[%dma_start3A_60] : memref<16384xi32, #tpu.memory_space<vmem>> -> memref<512xi32, #tpu.memory_space<vmem>>
    %dma_start3A_62 = tpu.memref_slice %arg2[%add3A_59] : memref<524288xi32, #tpu.memory_space<hbm>> -> memref<512xi32, #tpu.memory_space<hbm>>
    %dma_start3A_63 = arith.constant 3584 : i32
    %dma_start3A_64 = tpu.memref_slice %arg6[%dma_start3A_63] : memref<16384xi32, #tpu.memory_space<vmem>> -> memref<512xi32, #tpu.memory_space<vmem>>
    %dma_start3A_65 = tpu.memref_slice %arg2[%add3A_59] : memref<524288xi32, #tpu.memory_space<hbm>> -> memref<512xi32, #tpu.memory_space<hbm>>
    tpu.enqueue_dma source(%dma_start3A_65 : memref<512xi32, #tpu.memory_space<hbm>>) target(%dma_start3A_64 : memref<512xi32, #tpu.memory_space<vmem>>) target_semaphore(%arg9 : memref<!tpu.dma_semaphore, #tpu.memory_space<semaphore_mem>>)
    %add3A_66 = arith.constant 131072 : i32
    %add3A_67 = arith.addi %add3A_66, %mul3A_2 : i32
    %dma_start3A_68 = arith.constant 4096 : i32
    %dma_start3A_69 = tpu.memref_slice %arg6[%dma_start3A_68] : memref<16384xi32, #tpu.memory_space<vmem>> -> memref<512xi32, #tpu.memory_space<vmem>>
    %dma_start3A_70 = tpu.memref_slice %arg2[%add3A_67] : memref<524288xi32, #tpu.memory_space<hbm>> -> memref<512xi32, #tpu.memory_space<hbm>>
    %dma_start3A_71 = arith.constant 4096 : i32
    %dma_start3A_72 = tpu.memref_slice %arg6[%dma_start3A_71] : memref<16384xi32, #tpu.memory_space<vmem>> -> memref<512xi32, #tpu.memory_space<vmem>>
    %dma_start3A_73 = tpu.memref_slice %arg2[%add3A_67] : memref<524288xi32, #tpu.memory_space<hbm>> -> memref<512xi32, #tpu.memory_space<hbm>>
    tpu.enqueue_dma source(%dma_start3A_73 : memref<512xi32, #tpu.memory_space<hbm>>) target(%dma_start3A_72 : memref<512xi32, #tpu.memory_space<vmem>>) target_semaphore(%arg9 : memref<!tpu.dma_semaphore, #tpu.memory_space<semaphore_mem>>)
    %add3A_74 = arith.constant 147456 : i32
    %add3A_75 = arith.addi %add3A_74, %mul3A_2 : i32
    %dma_start3A_76 = arith.constant 4608 : i32
    %dma_start3A_77 = tpu.memref_slice %arg6[%dma_start3A_76] : memref<16384xi32, #tpu.memory_space<vmem>> -> memref<512xi32, #tpu.memory_space<vmem>>
    %dma_start3A_78 = tpu.memref_slice %arg2[%add3A_75] : memref<524288xi32, #tpu.memory_space<hbm>> -> memref<512xi32, #tpu.memory_space<hbm>>
    %dma_start3A_79 = arith.constant 4608 : i32
    %dma_start3A_80 = tpu.memref_slice %arg6[%dma_start3A_79] : memref<16384xi32, #tpu.memory_space<vmem>> -> memref<512xi32, #tpu.memory_space<vmem>>
    %dma_start3A_81 = tpu.memref_slice %arg2[%add3A_75] : memref<524288xi32, #tpu.memory_space<hbm>> -> memref<512xi32, #tpu.memory_space<hbm>>
    tpu.enqueue_dma source(%dma_start3A_81 : memref<512xi32, #tpu.memory_space<hbm>>) target(%dma_start3A_80 : memref<512xi32, #tpu.memory_space<vmem>>) target_semaphore(%arg9 : memref<!tpu.dma_semaphore, #tpu.memory_space<semaphore_mem>>)
    %add3A_82 = arith.constant 163840 : i32
    %add3A_83 = arith.addi %add3A_82, %mul3A_2 : i32
    %dma_start3A_84 = arith.constant 5120 : i32
    %dma_start3A_85 = tpu.memref_slice %arg6[%dma_start3A_84] : memref<16384xi32, #tpu.memory_space<vmem>> -> memref<512xi32, #tpu.memory_space<vmem>>
    %dma_start3A_86 = tpu.memref_slice %arg2[%add3A_83] : memref<524288xi32, #tpu.memory_space<hbm>> -> memref<512xi32, #tpu.memory_space<hbm>>
    %dma_start3A_87 = arith.constant 5120 : i32
    %dma_start3A_88 = tpu.memref_slice %arg6[%dma_start3A_87] : memref<16384xi32, #tpu.memory_space<vmem>> -> memref<512xi32, #tpu.memory_space<vmem>>
    %dma_start3A_89 = tpu.memref_slice %arg2[%add3A_83] : memref<524288xi32, #tpu.memory_space<hbm>> -> memref<512xi32, #tpu.memory_space<hbm>>
    tpu.enqueue_dma source(%dma_start3A_89 : memref<512xi32, #tpu.memory_space<hbm>>) target(%dma_start3A_88 : memref<512xi32, #tpu.memory_space<vmem>>) target_semaphore(%arg9 : memref<!tpu.dma_semaphore, #tpu.memory_space<semaphore_mem>>)
    %add3A_90 = arith.constant 180224 : i32
    %add3A_91 = arith.addi %add3A_90, %mul3A_2 : i32
    %dma_start3A_92 = arith.constant 5632 : i32
    %dma_start3A_93 = tpu.memref_slice %arg6[%dma_start3A_92] : memref<16384xi32, #tpu.memory_space<vmem>> -> memref<512xi32, #tpu.memory_space<vmem>>
    %dma_start3A_94 = tpu.memref_slice %arg2[%add3A_91] : memref<524288xi32, #tpu.memory_space<hbm>> -> memref<512xi32, #tpu.memory_space<hbm>>
    %dma_start3A_95 = arith.constant 5632 : i32
    %dma_start3A_96 = tpu.memref_slice %arg6[%dma_start3A_95] : memref<16384xi32, #tpu.memory_space<vmem>> -> memref<512xi32, #tpu.memory_space<vmem>>
    %dma_start3A_97 = tpu.memref_slice %arg2[%add3A_91] : memref<524288xi32, #tpu.memory_space<hbm>> -> memref<512xi32, #tpu.memory_space<hbm>>
    tpu.enqueue_dma source(%dma_start3A_97 : memref<512xi32, #tpu.memory_space<hbm>>) target(%dma_start3A_96 : memref<512xi32, #tpu.memory_space<vmem>>) target_semaphore(%arg9 : memref<!tpu.dma_semaphore, #tpu.memory_space<semaphore_mem>>)
    %add3A_98 = arith.constant 196608 : i32
    %add3A_99 = arith.addi %add3A_98, %mul3A_2 : i32
    %dma_start3A_100 = arith.constant 6144 : i32
    %dma_start3A_101 = tpu.memref_slice %arg6[%dma_start3A_100] : memref<16384xi32, #tpu.memory_space<vmem>> -> memref<512xi32, #tpu.memory_space<vmem>>
    %dma_start3A_102 = tpu.memref_slice %arg2[%add3A_99] : memref<524288xi32, #tpu.memory_space<hbm>> -> memref<512xi32, #tpu.memory_space<hbm>>
    %dma_start3A_103 = arith.constant 6144 : i32
    %dma_start3A_104 = tpu.memref_slice %arg6[%dma_start3A_103] : memref<16384xi32, #tpu.memory_space<vmem>> -> memref<512xi32, #tpu.memory_space<vmem>>
    %dma_start3A_105 = tpu.memref_slice %arg2[%add3A_99] : memref<524288xi32, #tpu.memory_space<hbm>> -> memref<512xi32, #tpu.memory_space<hbm>>
    tpu.enqueue_dma source(%dma_start3A_105 : memref<512xi32, #tpu.memory_space<hbm>>) target(%dma_start3A_104 : memref<512xi32, #tpu.memory_space<vmem>>) target_semaphore(%arg9 : memref<!tpu.dma_semaphore, #tpu.memory_space<semaphore_mem>>)
    %add3A_106 = arith.constant 212992 : i32
    %add3A_107 = arith.addi %add3A_106, %mul3A_2 : i32
    %dma_start3A_108 = arith.constant 6656 : i32
    %dma_start3A_109 = tpu.memref_slice %arg6[%dma_start3A_108] : memref<16384xi32, #tpu.memory_space<vmem>> -> memref<512xi32, #tpu.memory_space<vmem>>
    %dma_start3A_110 = tpu.memref_slice %arg2[%add3A_107] : memref<524288xi32, #tpu.memory_space<hbm>> -> memref<512xi32, #tpu.memory_space<hbm>>
    %dma_start3A_111 = arith.constant 6656 : i32
    %dma_start3A_112 = tpu.memref_slice %arg6[%dma_start3A_111] : memref<16384xi32, #tpu.memory_space<vmem>> -> memref<512xi32, #tpu.memory_space<vmem>>
    %dma_start3A_113 = tpu.memref_slice %arg2[%add3A_107] : memref<524288xi32, #tpu.memory_space<hbm>> -> memref<512xi32, #tpu.memory_space<hbm>>
    tpu.enqueue_dma source(%dma_start3A_113 : memref<512xi32, #tpu.memory_space<hbm>>) target(%dma_start3A_112 : memref<512xi32, #tpu.memory_space<vmem>>) target_semaphore(%arg9 : memref<!tpu.dma_semaphore, #tpu.memory_space<semaphore_mem>>)
    %add3A_114 = arith.constant 229376 : i32
    %add3A_115 = arith.addi %add3A_114, %mul3A_2 : i32
    %dma_start3A_116 = arith.constant 7168 : i32
    %dma_start3A_117 = tpu.memref_slice %arg6[%dma_start3A_116] : memref<16384xi32, #tpu.memory_space<vmem>> -> memref<512xi32, #tpu.memory_space<vmem>>
    %dma_start3A_118 = tpu.memref_slice %arg2[%add3A_115] : memref<524288xi32, #tpu.memory_space<hbm>> -> memref<512xi32, #tpu.memory_space<hbm>>
    %dma_start3A_119 = arith.constant 7168 : i32
    %dma_start3A_120 = tpu.memref_slice %arg6[%dma_start3A_119] : memref<16384xi32, #tpu.memory_space<vmem>> -> memref<512xi32, #tpu.memory_space<vmem>>
    %dma_start3A_121 = tpu.memref_slice %arg2[%add3A_115] : memref<524288xi32, #tpu.memory_space<hbm>> -> memref<512xi32, #tpu.memory_space<hbm>>
    tpu.enqueue_dma source(%dma_start3A_121 : memref<512xi32, #tpu.memory_space<hbm>>) target(%dma_start3A_120 : memref<512xi32, #tpu.memory_space<vmem>>) target_semaphore(%arg9 : memref<!tpu.dma_semaphore, #tpu.memory_space<semaphore_mem>>)
    %add3A_122 = arith.constant 245760 : i32
    %add3A_123 = arith.addi %add3A_122, %mul3A_2 : i32
    %dma_start3A_124 = arith.constant 7680 : i32
    %dma_start3A_125 = tpu.memref_slice %arg6[%dma_start3A_124] : memref<16384xi32, #tpu.memory_space<vmem>> -> memref<512xi32, #tpu.memory_space<vmem>>
    %dma_start3A_126 = tpu.memref_slice %arg2[%add3A_123] : memref<524288xi32, #tpu.memory_space<hbm>> -> memref<512xi32, #tpu.memory_space<hbm>>
    %dma_start3A_127 = arith.constant 7680 : i32
    %dma_start3A_128 = tpu.memref_slice %arg6[%dma_start3A_127] : memref<16384xi32, #tpu.memory_space<vmem>> -> memref<512xi32, #tpu.memory_space<vmem>>
    %dma_start3A_129 = tpu.memref_slice %arg2[%add3A_123] : memref<524288xi32, #tpu.memory_space<hbm>> -> memref<512xi32, #tpu.memory_space<hbm>>
    tpu.enqueue_dma source(%dma_start3A_129 : memref<512xi32, #tpu.memory_space<hbm>>) target(%dma_start3A_128 : memref<512xi32, #tpu.memory_space<vmem>>) target_semaphore(%arg9 : memref<!tpu.dma_semaphore, #tpu.memory_space<semaphore_mem>>)
    %add3A_130 = arith.constant 262144 : i32
    %add3A_131 = arith.addi %add3A_130, %mul3A_2 : i32
    %dma_start3A_132 = arith.constant 8192 : i32
    %dma_start3A_133 = tpu.memref_slice %arg6[%dma_start3A_132] : memref<16384xi32, #tpu.memory_space<vmem>> -> memref<512xi32, #tpu.memory_space<vmem>>
    %dma_start3A_134 = tpu.memref_slice %arg2[%add3A_131] : memref<524288xi32, #tpu.memory_space<hbm>> -> memref<512xi32, #tpu.memory_space<hbm>>
    %dma_start3A_135 = arith.constant 8192 : i32
    %dma_start3A_136 = tpu.memref_slice %arg6[%dma_start3A_135] : memref<16384xi32, #tpu.memory_space<vmem>> -> memref<512xi32, #tpu.memory_space<vmem>>
    %dma_start3A_137 = tpu.memref_slice %arg2[%add3A_131] : memref<524288xi32, #tpu.memory_space<hbm>> -> memref<512xi32, #tpu.memory_space<hbm>>
    tpu.enqueue_dma source(%dma_start3A_137 : memref<512xi32, #tpu.memory_space<hbm>>) target(%dma_start3A_136 : memref<512xi32, #tpu.memory_space<vmem>>) target_semaphore(%arg9 : memref<!tpu.dma_semaphore, #tpu.memory_space<semaphore_mem>>)
    %add3A_138 = arith.constant 278528 : i32
    %add3A_139 = arith.addi %add3A_138, %mul3A_2 : i32
    %dma_start3A_140 = arith.constant 8704 : i32
    %dma_start3A_141 = tpu.memref_slice %arg6[%dma_start3A_140] : memref<16384xi32, #tpu.memory_space<vmem>> -> memref<512xi32, #tpu.memory_space<vmem>>
    %dma_start3A_142 = tpu.memref_slice %arg2[%add3A_139] : memref<524288xi32, #tpu.memory_space<hbm>> -> memref<512xi32, #tpu.memory_space<hbm>>
    %dma_start3A_143 = arith.constant 8704 : i32
    %dma_start3A_144 = tpu.memref_slice %arg6[%dma_start3A_143] : memref<16384xi32, #tpu.memory_space<vmem>> -> memref<512xi32, #tpu.memory_space<vmem>>
    %dma_start3A_145 = tpu.memref_slice %arg2[%add3A_139] : memref<524288xi32, #tpu.memory_space<hbm>> -> memref<512xi32, #tpu.memory_space<hbm>>
    tpu.enqueue_dma source(%dma_start3A_145 : memref<512xi32, #tpu.memory_space<hbm>>) target(%dma_start3A_144 : memref<512xi32, #tpu.memory_space<vmem>>) target_semaphore(%arg9 : memref<!tpu.dma_semaphore, #tpu.memory_space<semaphore_mem>>)
    %add3A_146 = arith.constant 294912 : i32
    %add3A_147 = arith.addi %add3A_146, %mul3A_2 : i32
    %dma_start3A_148 = arith.constant 9216 : i32
    %dma_start3A_149 = tpu.memref_slice %arg6[%dma_start3A_148] : memref<16384xi32, #tpu.memory_space<vmem>> -> memref<512xi32, #tpu.memory_space<vmem>>
    %dma_start3A_150 = tpu.memref_slice %arg2[%add3A_147] : memref<524288xi32, #tpu.memory_space<hbm>> -> memref<512xi32, #tpu.memory_space<hbm>>
    %dma_start3A_151 = arith.constant 9216 : i32
    %dma_start3A_152 = tpu.memref_slice %arg6[%dma_start3A_151] : memref<16384xi32, #tpu.memory_space<vmem>> -> memref<512xi32, #tpu.memory_space<vmem>>
    %dma_start3A_153 = tpu.memref_slice %arg2[%add3A_147] : memref<524288xi32, #tpu.memory_space<hbm>> -> memref<512xi32, #tpu.memory_space<hbm>>
    tpu.enqueue_dma source(%dma_start3A_153 : memref<512xi32, #tpu.memory_space<hbm>>) target(%dma_start3A_152 : memref<512xi32, #tpu.memory_space<vmem>>) target_semaphore(%arg9 : memref<!tpu.dma_semaphore, #tpu.memory_space<semaphore_mem>>)
    %add3A_154 = arith.constant 311296 : i32
    %add3A_155 = arith.addi %add3A_154, %mul3A_2 : i32
    %dma_start3A_156 = arith.constant 9728 : i32
    %dma_start3A_157 = tpu.memref_slice %arg6[%dma_start3A_156] : memref<16384xi32, #tpu.memory_space<vmem>> -> memref<512xi32, #tpu.memory_space<vmem>>
    %dma_start3A_158 = tpu.memref_slice %arg2[%add3A_155] : memref<524288xi32, #tpu.memory_space<hbm>> -> memref<512xi32, #tpu.memory_space<hbm>>
    %dma_start3A_159 = arith.constant 9728 : i32
    %dma_start3A_160 = tpu.memref_slice %arg6[%dma_start3A_159] : memref<16384xi32, #tpu.memory_space<vmem>> -> memref<512xi32, #tpu.memory_space<vmem>>
    %dma_start3A_161 = tpu.memref_slice %arg2[%add3A_155] : memref<524288xi32, #tpu.memory_space<hbm>> -> memref<512xi32, #tpu.memory_space<hbm>>
    tpu.enqueue_dma source(%dma_start3A_161 : memref<512xi32, #tpu.memory_space<hbm>>) target(%dma_start3A_160 : memref<512xi32, #tpu.memory_space<vmem>>) target_semaphore(%arg9 : memref<!tpu.dma_semaphore, #tpu.memory_space<semaphore_mem>>)
    %add3A_162 = arith.constant 327680 : i32
    %add3A_163 = arith.addi %add3A_162, %mul3A_2 : i32
    %dma_start3A_164 = arith.constant 10240 : i32
    %dma_start3A_165 = tpu.memref_slice %arg6[%dma_start3A_164] : memref<16384xi32, #tpu.memory_space<vmem>> -> memref<512xi32, #tpu.memory_space<vmem>>
    %dma_start3A_166 = tpu.memref_slice %arg2[%add3A_163] : memref<524288xi32, #tpu.memory_space<hbm>> -> memref<512xi32, #tpu.memory_space<hbm>>
    %dma_start3A_167 = arith.constant 10240 : i32
    %dma_start3A_168 = tpu.memref_slice %arg6[%dma_start3A_167] : memref<16384xi32, #tpu.memory_space<vmem>> -> memref<512xi32, #tpu.memory_space<vmem>>
    %dma_start3A_169 = tpu.memref_slice %arg2[%add3A_163] : memref<524288xi32, #tpu.memory_space<hbm>> -> memref<512xi32, #tpu.memory_space<hbm>>
    tpu.enqueue_dma source(%dma_start3A_169 : memref<512xi32, #tpu.memory_space<hbm>>) target(%dma_start3A_168 : memref<512xi32, #tpu.memory_space<vmem>>) target_semaphore(%arg9 : memref<!tpu.dma_semaphore, #tpu.memory_space<semaphore_mem>>)
    %add3A_170 = arith.constant 344064 : i32
    %add3A_171 = arith.addi %add3A_170, %mul3A_2 : i32
    %dma_start3A_172 = arith.constant 10752 : i32
    %dma_start3A_173 = tpu.memref_slice %arg6[%dma_start3A_172] : memref<16384xi32, #tpu.memory_space<vmem>> -> memref<512xi32, #tpu.memory_space<vmem>>
    %dma_start3A_174 = tpu.memref_slice %arg2[%add3A_171] : memref<524288xi32, #tpu.memory_space<hbm>> -> memref<512xi32, #tpu.memory_space<hbm>>
    %dma_start3A_175 = arith.constant 10752 : i32
    %dma_start3A_176 = tpu.memref_slice %arg6[%dma_start3A_175] : memref<16384xi32, #tpu.memory_space<vmem>> -> memref<512xi32, #tpu.memory_space<vmem>>
    %dma_start3A_177 = tpu.memref_slice %arg2[%add3A_171] : memref<524288xi32, #tpu.memory_space<hbm>> -> memref<512xi32, #tpu.memory_space<hbm>>
    tpu.enqueue_dma source(%dma_start3A_177 : memref<512xi32, #tpu.memory_space<hbm>>) target(%dma_start3A_176 : memref<512xi32, #tpu.memory_space<vmem>>) target_semaphore(%arg9 : memref<!tpu.dma_semaphore, #tpu.memory_space<semaphore_mem>>)
    %add3A_178 = arith.constant 360448 : i32
    %add3A_179 = arith.addi %add3A_178, %mul3A_2 : i32
    %dma_start3A_180 = arith.constant 11264 : i32
    %dma_start3A_181 = tpu.memref_slice %arg6[%dma_start3A_180] : memref<16384xi32, #tpu.memory_space<vmem>> -> memref<512xi32, #tpu.memory_space<vmem>>
    %dma_start3A_182 = tpu.memref_slice %arg2[%add3A_179] : memref<524288xi32, #tpu.memory_space<hbm>> -> memref<512xi32, #tpu.memory_space<hbm>>
    %dma_start3A_183 = arith.constant 11264 : i32
    %dma_start3A_184 = tpu.memref_slice %arg6[%dma_start3A_183] : memref<16384xi32, #tpu.memory_space<vmem>> -> memref<512xi32, #tpu.memory_space<vmem>>
    %dma_start3A_185 = tpu.memref_slice %arg2[%add3A_179] : memref<524288xi32, #tpu.memory_space<hbm>> -> memref<512xi32, #tpu.memory_space<hbm>>
    tpu.enqueue_dma source(%dma_start3A_185 : memref<512xi32, #tpu.memory_space<hbm>>) target(%dma_start3A_184 : memref<512xi32, #tpu.memory_space<vmem>>) target_semaphore(%arg9 : memref<!tpu.dma_semaphore, #tpu.memory_space<semaphore_mem>>)
    %add3A_186 = arith.constant 376832 : i32
    %add3A_187 = arith.addi %add3A_186, %mul3A_2 : i32
    %dma_start3A_188 = arith.constant 11776 : i32
    %dma_start3A_189 = tpu.memref_slice %arg6[%dma_start3A_188] : memref<16384xi32, #tpu.memory_space<vmem>> -> memref<512xi32, #tpu.memory_space<vmem>>
    %dma_start3A_190 = tpu.memref_slice %arg2[%add3A_187] : memref<524288xi32, #tpu.memory_space<hbm>> -> memref<512xi32, #tpu.memory_space<hbm>>
    %dma_start3A_191 = arith.constant 11776 : i32
    %dma_start3A_192 = tpu.memref_slice %arg6[%dma_start3A_191] : memref<16384xi32, #tpu.memory_space<vmem>> -> memref<512xi32, #tpu.memory_space<vmem>>
    %dma_start3A_193 = tpu.memref_slice %arg2[%add3A_187] : memref<524288xi32, #tpu.memory_space<hbm>> -> memref<512xi32, #tpu.memory_space<hbm>>
    tpu.enqueue_dma source(%dma_start3A_193 : memref<512xi32, #tpu.memory_space<hbm>>) target(%dma_start3A_192 : memref<512xi32, #tpu.memory_space<vmem>>) target_semaphore(%arg9 : memref<!tpu.dma_semaphore, #tpu.memory_space<semaphore_mem>>)
    %add3A_194 = arith.constant 393216 : i32
    %add3A_195 = arith.addi %add3A_194, %mul3A_2 : i32
    %dma_start3A_196 = arith.constant 12288 : i32
    %dma_start3A_197 = tpu.memref_slice %arg6[%dma_start3A_196] : memref<16384xi32, #tpu.memory_space<vmem>> -> memref<512xi32, #tpu.memory_space<vmem>>
    %dma_start3A_198 = tpu.memref_slice %arg2[%add3A_195] : memref<524288xi32, #tpu.memory_space<hbm>> -> memref<512xi32, #tpu.memory_space<hbm>>
    %dma_start3A_199 = arith.constant 12288 : i32
    %dma_start3A_200 = tpu.memref_slice %arg6[%dma_start3A_199] : memref<16384xi32, #tpu.memory_space<vmem>> -> memref<512xi32, #tpu.memory_space<vmem>>
    %dma_start3A_201 = tpu.memref_slice %arg2[%add3A_195] : memref<524288xi32, #tpu.memory_space<hbm>> -> memref<512xi32, #tpu.memory_space<hbm>>
    tpu.enqueue_dma source(%dma_start3A_201 : memref<512xi32, #tpu.memory_space<hbm>>) target(%dma_start3A_200 : memref<512xi32, #tpu.memory_space<vmem>>) target_semaphore(%arg9 : memref<!tpu.dma_semaphore, #tpu.memory_space<semaphore_mem>>)
    %add3A_202 = arith.constant 409600 : i32
    %add3A_203 = arith.addi %add3A_202, %mul3A_2 : i32
    %dma_start3A_204 = arith.constant 12800 : i32
    %dma_start3A_205 = tpu.memref_slice %arg6[%dma_start3A_204] : memref<16384xi32, #tpu.memory_space<vmem>> -> memref<512xi32, #tpu.memory_space<vmem>>
    %dma_start3A_206 = tpu.memref_slice %arg2[%add3A_203] : memref<524288xi32, #tpu.memory_space<hbm>> -> memref<512xi32, #tpu.memory_space<hbm>>
    %dma_start3A_207 = arith.constant 12800 : i32
    %dma_start3A_208 = tpu.memref_slice %arg6[%dma_start3A_207] : memref<16384xi32, #tpu.memory_space<vmem>> -> memref<512xi32, #tpu.memory_space<vmem>>
    %dma_start3A_209 = tpu.memref_slice %arg2[%add3A_203] : memref<524288xi32, #tpu.memory_space<hbm>> -> memref<512xi32, #tpu.memory_space<hbm>>
    tpu.enqueue_dma source(%dma_start3A_209 : memref<512xi32, #tpu.memory_space<hbm>>) target(%dma_start3A_208 : memref<512xi32, #tpu.memory_space<vmem>>) target_semaphore(%arg9 : memref<!tpu.dma_semaphore, #tpu.memory_space<semaphore_mem>>)
    %add3A_210 = arith.constant 425984 : i32
    %add3A_211 = arith.addi %add3A_210, %mul3A_2 : i32
    %dma_start3A_212 = arith.constant 13312 : i32
    %dma_start3A_213 = tpu.memref_slice %arg6[%dma_start3A_212] : memref<16384xi32, #tpu.memory_space<vmem>> -> memref<512xi32, #tpu.memory_space<vmem>>
    %dma_start3A_214 = tpu.memref_slice %arg2[%add3A_211] : memref<524288xi32, #tpu.memory_space<hbm>> -> memref<512xi32, #tpu.memory_space<hbm>>
    %dma_start3A_215 = arith.constant 13312 : i32
    %dma_start3A_216 = tpu.memref_slice %arg6[%dma_start3A_215] : memref<16384xi32, #tpu.memory_space<vmem>> -> memref<512xi32, #tpu.memory_space<vmem>>
    %dma_start3A_217 = tpu.memref_slice %arg2[%add3A_211] : memref<524288xi32, #tpu.memory_space<hbm>> -> memref<512xi32, #tpu.memory_space<hbm>>
    tpu.enqueue_dma source(%dma_start3A_217 : memref<512xi32, #tpu.memory_space<hbm>>) target(%dma_start3A_216 : memref<512xi32, #tpu.memory_space<vmem>>) target_semaphore(%arg9 : memref<!tpu.dma_semaphore, #tpu.memory_space<semaphore_mem>>)
    %add3A_218 = arith.constant 442368 : i32
    %add3A_219 = arith.addi %add3A_218, %mul3A_2 : i32
    %dma_start3A_220 = arith.constant 13824 : i32
    %dma_start3A_221 = tpu.memref_slice %arg6[%dma_start3A_220] : memref<16384xi32, #tpu.memory_space<vmem>> -> memref<512xi32, #tpu.memory_space<vmem>>
    %dma_start3A_222 = tpu.memref_slice %arg2[%add3A_219] : memref<524288xi32, #tpu.memory_space<hbm>> -> memref<512xi32, #tpu.memory_space<hbm>>
    %dma_start3A_223 = arith.constant 13824 : i32
    %dma_start3A_224 = tpu.memref_slice %arg6[%dma_start3A_223] : memref<16384xi32, #tpu.memory_space<vmem>> -> memref<512xi32, #tpu.memory_space<vmem>>
    %dma_start3A_225 = tpu.memref_slice %arg2[%add3A_219] : memref<524288xi32, #tpu.memory_space<hbm>> -> memref<512xi32, #tpu.memory_space<hbm>>
    tpu.enqueue_dma source(%dma_start3A_225 : memref<512xi32, #tpu.memory_space<hbm>>) target(%dma_start3A_224 : memref<512xi32, #tpu.memory_space<vmem>>) target_semaphore(%arg9 : memref<!tpu.dma_semaphore, #tpu.memory_space<semaphore_mem>>)
    %add3A_226 = arith.constant 458752 : i32
    %add3A_227 = arith.addi %add3A_226, %mul3A_2 : i32
    %dma_start3A_228 = arith.constant 14336 : i32
    %dma_start3A_229 = tpu.memref_slice %arg6[%dma_start3A_228] : memref<16384xi32, #tpu.memory_space<vmem>> -> memref<512xi32, #tpu.memory_space<vmem>>
    %dma_start3A_230 = tpu.memref_slice %arg2[%add3A_227] : memref<524288xi32, #tpu.memory_space<hbm>> -> memref<512xi32, #tpu.memory_space<hbm>>
    %dma_start3A_231 = arith.constant 14336 : i32
    %dma_start3A_232 = tpu.memref_slice %arg6[%dma_start3A_231] : memref<16384xi32, #tpu.memory_space<vmem>> -> memref<512xi32, #tpu.memory_space<vmem>>
    %dma_start3A_233 = tpu.memref_slice %arg2[%add3A_227] : memref<524288xi32, #tpu.memory_space<hbm>> -> memref<512xi32, #tpu.memory_space<hbm>>
    tpu.enqueue_dma source(%dma_start3A_233 : memref<512xi32, #tpu.memory_space<hbm>>) target(%dma_start3A_232 : memref<512xi32, #tpu.memory_space<vmem>>) target_semaphore(%arg9 : memref<!tpu.dma_semaphore, #tpu.memory_space<semaphore_mem>>)
    %add3A_234 = arith.constant 475136 : i32
    %add3A_235 = arith.addi %add3A_234, %mul3A_2 : i32
    %dma_start3A_236 = arith.constant 14848 : i32
    %dma_start3A_237 = tpu.memref_slice %arg6[%dma_start3A_236] : memref<16384xi32, #tpu.memory_space<vmem>> -> memref<512xi32, #tpu.memory_space<vmem>>
    %dma_start3A_238 = tpu.memref_slice %arg2[%add3A_235] : memref<524288xi32, #tpu.memory_space<hbm>> -> memref<512xi32, #tpu.memory_space<hbm>>
    %dma_start3A_239 = arith.constant 14848 : i32
    %dma_start3A_240 = tpu.memref_slice %arg6[%dma_start3A_239] : memref<16384xi32, #tpu.memory_space<vmem>> -> memref<512xi32, #tpu.memory_space<vmem>>
    %dma_start3A_241 = tpu.memref_slice %arg2[%add3A_235] : memref<524288xi32, #tpu.memory_space<hbm>> -> memref<512xi32, #tpu.memory_space<hbm>>
    tpu.enqueue_dma source(%dma_start3A_241 : memref<512xi32, #tpu.memory_space<hbm>>) target(%dma_start3A_240 : memref<512xi32, #tpu.memory_space<vmem>>) target_semaphore(%arg9 : memref<!tpu.dma_semaphore, #tpu.memory_space<semaphore_mem>>)
    %add3A_242 = arith.constant 491520 : i32
    %add3A_243 = arith.addi %add3A_242, %mul3A_2 : i32
    %dma_start3A_244 = arith.constant 15360 : i32
    %dma_start3A_245 = tpu.memref_slice %arg6[%dma_start3A_244] : memref<16384xi32, #tpu.memory_space<vmem>> -> memref<512xi32, #tpu.memory_space<vmem>>
    %dma_start3A_246 = tpu.memref_slice %arg2[%add3A_243] : memref<524288xi32, #tpu.memory_space<hbm>> -> memref<512xi32, #tpu.memory_space<hbm>>
    %dma_start3A_247 = arith.constant 15360 : i32
    %dma_start3A_248 = tpu.memref_slice %arg6[%dma_start3A_247] : memref<16384xi32, #tpu.memory_space<vmem>> -> memref<512xi32, #tpu.memory_space<vmem>>
    %dma_start3A_249 = tpu.memref_slice %arg2[%add3A_243] : memref<524288xi32, #tpu.memory_space<hbm>> -> memref<512xi32, #tpu.memory_space<hbm>>
    tpu.enqueue_dma source(%dma_start3A_249 : memref<512xi32, #tpu.memory_space<hbm>>) target(%dma_start3A_248 : memref<512xi32, #tpu.memory_space<vmem>>) target_semaphore(%arg9 : memref<!tpu.dma_semaphore, #tpu.memory_space<semaphore_mem>>)
    %add3A_250 = arith.constant 507904 : i32
    %add3A_251 = arith.addi %add3A_250, %mul3A_2 : i32
    %dma_start3A_252 = arith.constant 15872 : i32
    %dma_start3A_253 = tpu.memref_slice %arg6[%dma_start3A_252] : memref<16384xi32, #tpu.memory_space<vmem>> -> memref<512xi32, #tpu.memory_space<vmem>>
    %dma_start3A_254 = tpu.memref_slice %arg2[%add3A_251] : memref<524288xi32, #tpu.memory_space<hbm>> -> memref<512xi32, #tpu.memory_space<hbm>>
    %dma_start3A_255 = arith.constant 15872 : i32
    %dma_start3A_256 = tpu.memref_slice %arg6[%dma_start3A_255] : memref<16384xi32, #tpu.memory_space<vmem>> -> memref<512xi32, #tpu.memory_space<vmem>>
    %dma_start3A_257 = tpu.memref_slice %arg2[%add3A_251] : memref<524288xi32, #tpu.memory_space<hbm>> -> memref<512xi32, #tpu.memory_space<hbm>>
    tpu.enqueue_dma source(%dma_start3A_257 : memref<512xi32, #tpu.memory_space<hbm>>) target(%dma_start3A_256 : memref<512xi32, #tpu.memory_space<vmem>>) target_semaphore(%arg9 : memref<!tpu.dma_semaphore, #tpu.memory_space<semaphore_mem>>)
    %dma_wait3A = arith.constant 0 : i32
    %dma_wait3A_258 = tpu.memref_slice %arg2[%dma_wait3A] : memref<524288xi32, #tpu.memory_space<hbm>> -> memref<16384xi32, #tpu.memory_space<hbm>>
    %dma_wait3A_259 = arith.constant 0 : i32
    %dma_wait3A_260 = tpu.memref_slice %arg2[%dma_wait3A_259] : memref<524288xi32, #tpu.memory_space<hbm>> -> memref<16384xi32, #tpu.memory_space<hbm>>
    tpu.wait_dma2 semaphore(%arg9 : memref<!tpu.dma_semaphore, #tpu.memory_space<semaphore_mem>>) src(%dma_wait3A_260 : memref<16384xi32, #tpu.memory_space<hbm>>) dst(%arg6 : memref<16384xi32, #tpu.memory_space<vmem>>)
    %scan3A = arith.constant 0 : i32
    %scan3A_261 = arith.constant 0 : i32
    %scan3A_262 = arith.constant 32 : i32
    %scan3A_263 = arith.addi %scan3A_261, %scan3A_262 : i32
    %scan3A_264 = arith.constant 1 : i32
    scf.for %scan3A_278 = %scan3A_261 to %scan3A_263 step %scan3A_264  : i32 {
      %mul3A_279 = arith.constant 16 : i32
      %mul3A_280 = arith.muli %scan3A_278, %mul3A_279 : i32
      %get3A = arith.index_cast %mul3A_280 : i32 to index
      %get3A_281 = tpu.vector_load %arg6[%get3A] {strides = array<i32>} : memref<16384xi32, #tpu.memory_space<vmem>>, vector<16xi32>,
      %mul3A_282 = arith.constant 16 : i32
      %mul3A_283 = arith.muli %scan3A_278, %mul3A_282 : i32
      %add3A_284 = arith.constant 512 : i32
      %add3A_285 = arith.addi %add3A_284, %mul3A_283 : i32
      %get3A_286 = arith.index_cast %add3A_285 : i32 to index
      %get3A_287 = tpu.vector_load %arg6[%get3A_286] {strides = array<i32>} : memref<16384xi32, #tpu.memory_space<vmem>>, vector<16xi32>,
      %max3A = arith.maxsi %get3A_281, %get3A_287 : vector<16xi32>
      %mul3A_288 = arith.constant 16 : i32
      %mul3A_289 = arith.muli %scan3A_278, %mul3A_288 : i32
      %add3A_290 = arith.constant 1024 : i32
      %add3A_291 = arith.addi %add3A_290, %mul3A_289 : i32
      %get3A_292 = arith.index_cast %add3A_291 : i32 to index
      %get3A_293 = tpu.vector_load %arg6[%get3A_292] {strides = array<i32>} : memref<16384xi32, #tpu.memory_space<vmem>>, vector<16xi32>,
      %max3A_294 = arith.maxsi %max3A, %get3A_293 : vector<16xi32>
      %mul3A_295 = arith.constant 16 : i32
      %mul3A_296 = arith.muli %scan3A_278, %mul3A_295 : i32
      %add3A_297 = arith.constant 1536 : i32
      %add3A_298 = arith.addi %add3A_297, %mul3A_296 : i32
      %get3A_299 = arith.index_cast %add3A_298 : i32 to index
      %get3A_300 = tpu.vector_load %arg6[%get3A_299] {strides = array<i32>} : memref<16384xi32, #tpu.memory_space<vmem>>, vector<16xi32>,
      %max3A_301 = arith.maxsi %max3A_294, %get3A_300 : vector<16xi32>
      %mul3A_302 = arith.constant 16 : i32
      %mul3A_303 = arith.muli %scan3A_278, %mul3A_302 : i32
      %add3A_304 = arith.constant 2048 : i32
      %add3A_305 = arith.addi %add3A_304, %mul3A_303 : i32
      %get3A_306 = arith.index_cast %add3A_305 : i32 to index
      %get3A_307 = tpu.vector_load %arg6[%get3A_306] {strides = array<i32>} : memref<16384xi32, #tpu.memory_space<vmem>>, vector<16xi32>,
      %max3A_308 = arith.maxsi %max3A_301, %get3A_307 : vector<16xi32>
      %mul3A_309 = arith.constant 16 : i32
      %mul3A_310 = arith.muli %scan3A_278, %mul3A_309 : i32
      %add3A_311 = arith.constant 2560 : i32
      %add3A_312 = arith.addi %add3A_311, %mul3A_310 : i32
      %get3A_313 = arith.index_cast %add3A_312 : i32 to index
      %get3A_314 = tpu.vector_load %arg6[%get3A_313] {strides = array<i32>} : memref<16384xi32, #tpu.memory_space<vmem>>, vector<16xi32>,
      %max3A_315 = arith.maxsi %max3A_308, %get3A_314 : vector<16xi32>
      %mul3A_316 = arith.constant 16 : i32
      %mul3A_317 = arith.muli %scan3A_278, %mul3A_316 : i32
      %add3A_318 = arith.constant 3072 : i32
      %add3A_319 = arith.addi %add3A_318, %mul3A_317 : i32
      %get3A_320 = arith.index_cast %add3A_319 : i32 to index
      %get3A_321 = tpu.vector_load %arg6[%get3A_320] {strides = array<i32>} : memref<16384xi32, #tpu.memory_space<vmem>>, vector<16xi32>,
      %max3A_322 = arith.maxsi %max3A_315, %get3A_321 : vector<16xi32>
      %mul3A_323 = arith.constant 16 : i32
      %mul3A_324 = arith.muli %scan3A_278, %mul3A_323 : i32
      %add3A_325 = arith.constant 3584 : i32
      %add3A_326 = arith.addi %add3A_325, %mul3A_324 : i32
      %get3A_327 = arith.index_cast %add3A_326 : i32 to index
      %get3A_328 = tpu.vector_load %arg6[%get3A_327] {strides = array<i32>} : memref<16384xi32, #tpu.memory_space<vmem>>, vector<16xi32>,
      %max3A_329 = arith.maxsi %max3A_322, %get3A_328 : vector<16xi32>
      %mul3A_330 = arith.constant 16 : i32
      %mul3A_331 = arith.muli %scan3A_278, %mul3A_330 : i32
      %add3A_332 = arith.constant 4096 : i32
      %add3A_333 = arith.addi %add3A_332, %mul3A_331 : i32
      %get3A_334 = arith.index_cast %add3A_333 : i32 to index
      %get3A_335 = tpu.vector_load %arg6[%get3A_334] {strides = array<i32>} : memref<16384xi32, #tpu.memory_space<vmem>>, vector<16xi32>,
      %max3A_336 = arith.maxsi %max3A_329, %get3A_335 : vector<16xi32>
      %mul3A_337 = arith.constant 16 : i32
      %mul3A_338 = arith.muli %scan3A_278, %mul3A_337 : i32
      %add3A_339 = arith.constant 4608 : i32
      %add3A_340 = arith.addi %add3A_339, %mul3A_338 : i32
      %get3A_341 = arith.index_cast %add3A_340 : i32 to index
      %get3A_342 = tpu.vector_load %arg6[%get3A_341] {strides = array<i32>} : memref<16384xi32, #tpu.memory_space<vmem>>, vector<16xi32>,
      %max3A_343 = arith.maxsi %max3A_336, %get3A_342 : vector<16xi32>
      %mul3A_344 = arith.constant 16 : i32
      %mul3A_345 = arith.muli %scan3A_278, %mul3A_344 : i32
      %add3A_346 = arith.constant 5120 : i32
      %add3A_347 = arith.addi %add3A_346, %mul3A_345 : i32
      %get3A_348 = arith.index_cast %add3A_347 : i32 to index
      %get3A_349 = tpu.vector_load %arg6[%get3A_348] {strides = array<i32>} : memref<16384xi32, #tpu.memory_space<vmem>>, vector<16xi32>,
      %max3A_350 = arith.maxsi %max3A_343, %get3A_349 : vector<16xi32>
      %mul3A_351 = arith.constant 16 : i32
      %mul3A_352 = arith.muli %scan3A_278, %mul3A_351 : i32
      %add3A_353 = arith.constant 5632 : i32
      %add3A_354 = arith.addi %add3A_353, %mul3A_352 : i32
      %get3A_355 = arith.index_cast %add3A_354 : i32 to index
      %get3A_356 = tpu.vector_load %arg6[%get3A_355] {strides = array<i32>} : memref<16384xi32, #tpu.memory_space<vmem>>, vector<16xi32>,
      %max3A_357 = arith.maxsi %max3A_350, %get3A_356 : vector<16xi32>
      %mul3A_358 = arith.constant 16 : i32
      %mul3A_359 = arith.muli %scan3A_278, %mul3A_358 : i32
      %add3A_360 = arith.constant 6144 : i32
      %add3A_361 = arith.addi %add3A_360, %mul3A_359 : i32
      %get3A_362 = arith.index_cast %add3A_361 : i32 to index
      %get3A_363 = tpu.vector_load %arg6[%get3A_362] {strides = array<i32>} : memref<16384xi32, #tpu.memory_space<vmem>>, vector<16xi32>,
      %max3A_364 = arith.maxsi %max3A_357, %get3A_363 : vector<16xi32>
      %mul3A_365 = arith.constant 16 : i32
      %mul3A_366 = arith.muli %scan3A_278, %mul3A_365 : i32
      %add3A_367 = arith.constant 6656 : i32
      %add3A_368 = arith.addi %add3A_367, %mul3A_366 : i32
      %get3A_369 = arith.index_cast %add3A_368 : i32 to index
      %get3A_370 = tpu.vector_load %arg6[%get3A_369] {strides = array<i32>} : memref<16384xi32, #tpu.memory_space<vmem>>, vector<16xi32>,
      %max3A_371 = arith.maxsi %max3A_364, %get3A_370 : vector<16xi32>
      %mul3A_372 = arith.constant 16 : i32
      %mul3A_373 = arith.muli %scan3A_278, %mul3A_372 : i32
      %add3A_374 = arith.constant 7168 : i32
      %add3A_375 = arith.addi %add3A_374, %mul3A_373 : i32
      %get3A_376 = arith.index_cast %add3A_375 : i32 to index
      %get3A_377 = tpu.vector_load %arg6[%get3A_376] {strides = array<i32>} : memref<16384xi32, #tpu.memory_space<vmem>>, vector<16xi32>,
      %max3A_378 = arith.maxsi %max3A_371, %get3A_377 : vector<16xi32>
      %mul3A_379 = arith.constant 16 : i32
      %mul3A_380 = arith.muli %scan3A_278, %mul3A_379 : i32
      %add3A_381 = arith.constant 7680 : i32
      %add3A_382 = arith.addi %add3A_381, %mul3A_380 : i32
      %get3A_383 = arith.index_cast %add3A_382 : i32 to index
      %get3A_384 = tpu.vector_load %arg6[%get3A_383] {strides = array<i32>} : memref<16384xi32, #tpu.memory_space<vmem>>, vector<16xi32>,
      %max3A_385 = arith.maxsi %max3A_378, %get3A_384 : vector<16xi32>
      %mul3A_386 = arith.constant 16 : i32
      %mul3A_387 = arith.muli %scan3A_278, %mul3A_386 : i32
      %add3A_388 = arith.constant 8192 : i32
      %add3A_389 = arith.addi %add3A_388, %mul3A_387 : i32
      %get3A_390 = arith.index_cast %add3A_389 : i32 to index
      %get3A_391 = tpu.vector_load %arg6[%get3A_390] {strides = array<i32>} : memref<16384xi32, #tpu.memory_space<vmem>>, vector<16xi32>,
      %max3A_392 = arith.maxsi %max3A_385, %get3A_391 : vector<16xi32>
      %mul3A_393 = arith.constant 16 : i32
      %mul3A_394 = arith.muli %scan3A_278, %mul3A_393 : i32
      %add3A_395 = arith.constant 8704 : i32
      %add3A_396 = arith.addi %add3A_395, %mul3A_394 : i32
      %get3A_397 = arith.index_cast %add3A_396 : i32 to index
      %get3A_398 = tpu.vector_load %arg6[%get3A_397] {strides = array<i32>} : memref<16384xi32, #tpu.memory_space<vmem>>, vector<16xi32>,
      %max3A_399 = arith.maxsi %max3A_392, %get3A_398 : vector<16xi32>
      %mul3A_400 = arith.constant 16 : i32
      %mul3A_401 = arith.muli %scan3A_278, %mul3A_400 : i32
      %add3A_402 = arith.constant 9216 : i32
      %add3A_403 = arith.addi %add3A_402, %mul3A_401 : i32
      %get3A_404 = arith.index_cast %add3A_403 : i32 to index
      %get3A_405 = tpu.vector_load %arg6[%get3A_404] {strides = array<i32>} : memref<16384xi32, #tpu.memory_space<vmem>>, vector<16xi32>,
      %max3A_406 = arith.maxsi %max3A_399, %get3A_405 : vector<16xi32>
      %mul3A_407 = arith.constant 16 : i32
      %mul3A_408 = arith.muli %scan3A_278, %mul3A_407 : i32
      %add3A_409 = arith.constant 9728 : i32
      %add3A_410 = arith.addi %add3A_409, %mul3A_408 : i32
      %get3A_411 = arith.index_cast %add3A_410 : i32 to index
      %get3A_412 = tpu.vector_load %arg6[%get3A_411] {strides = array<i32>} : memref<16384xi32, #tpu.memory_space<vmem>>, vector<16xi32>,
      %max3A_413 = arith.maxsi %max3A_406, %get3A_412 : vector<16xi32>
      %mul3A_414 = arith.constant 16 : i32
      %mul3A_415 = arith.muli %scan3A_278, %mul3A_414 : i32
      %add3A_416 = arith.constant 10240 : i32
      %add3A_417 = arith.addi %add3A_416, %mul3A_415 : i32
      %get3A_418 = arith.index_cast %add3A_417 : i32 to index
      %get3A_419 = tpu.vector_load %arg6[%get3A_418] {strides = array<i32>} : memref<16384xi32, #tpu.memory_space<vmem>>, vector<16xi32>,
      %max3A_420 = arith.maxsi %max3A_413, %get3A_419 : vector<16xi32>
      %mul3A_421 = arith.constant 16 : i32
      %mul3A_422 = arith.muli %scan3A_278, %mul3A_421 : i32
      %add3A_423 = arith.constant 10752 : i32
      %add3A_424 = arith.addi %add3A_423, %mul3A_422 : i32
      %get3A_425 = arith.index_cast %add3A_424 : i32 to index
      %get3A_426 = tpu.vector_load %arg6[%get3A_425] {strides = array<i32>} : memref<16384xi32, #tpu.memory_space<vmem>>, vector<16xi32>,
      %max3A_427 = arith.maxsi %max3A_420, %get3A_426 : vector<16xi32>
      %mul3A_428 = arith.constant 16 : i32
      %mul3A_429 = arith.muli %scan3A_278, %mul3A_428 : i32
      %add3A_430 = arith.constant 11264 : i32
      %add3A_431 = arith.addi %add3A_430, %mul3A_429 : i32
      %get3A_432 = arith.index_cast %add3A_431 : i32 to index
      %get3A_433 = tpu.vector_load %arg6[%get3A_432] {strides = array<i32>} : memref<16384xi32, #tpu.memory_space<vmem>>, vector<16xi32>,
      %max3A_434 = arith.maxsi %max3A_427, %get3A_433 : vector<16xi32>
      %mul3A_435 = arith.constant 16 : i32
      %mul3A_436 = arith.muli %scan3A_278, %mul3A_435 : i32
      %add3A_437 = arith.constant 11776 : i32
      %add3A_438 = arith.addi %add3A_437, %mul3A_436 : i32
      %get3A_439 = arith.index_cast %add3A_438 : i32 to index
      %get3A_440 = tpu.vector_load %arg6[%get3A_439] {strides = array<i32>} : memref<16384xi32, #tpu.memory_space<vmem>>, vector<16xi32>,
      %max3A_441 = arith.maxsi %max3A_434, %get3A_440 : vector<16xi32>
      %mul3A_442 = arith.constant 16 : i32
      %mul3A_443 = arith.muli %scan3A_278, %mul3A_442 : i32
      %add3A_444 = arith.constant 12288 : i32
      %add3A_445 = arith.addi %add3A_444, %mul3A_443 : i32
      %get3A_446 = arith.index_cast %add3A_445 : i32 to index
      %get3A_447 = tpu.vector_load %arg6[%get3A_446] {strides = array<i32>} : memref<16384xi32, #tpu.memory_space<vmem>>, vector<16xi32>,
      %max3A_448 = arith.maxsi %max3A_441, %get3A_447 : vector<16xi32>
      %mul3A_449 = arith.constant 16 : i32
      %mul3A_450 = arith.muli %scan3A_278, %mul3A_449 : i32
      %add3A_451 = arith.constant 12800 : i32
      %add3A_452 = arith.addi %add3A_451, %mul3A_450 : i32
      %get3A_453 = arith.index_cast %add3A_452 : i32 to index
      %get3A_454 = tpu.vector_load %arg6[%get3A_453] {strides = array<i32>} : memref<16384xi32, #tpu.memory_space<vmem>>, vector<16xi32>,
      %max3A_455 = arith.maxsi %max3A_448, %get3A_454 : vector<16xi32>
      %mul3A_456 = arith.constant 16 : i32
      %mul3A_457 = arith.muli %scan3A_278, %mul3A_456 : i32
      %add3A_458 = arith.constant 13312 : i32
      %add3A_459 = arith.addi %add3A_458, %mul3A_457 : i32
      %get3A_460 = arith.index_cast %add3A_459 : i32 to index
      %get3A_461 = tpu.vector_load %arg6[%get3A_460] {strides = array<i32>} : memref<16384xi32, #tpu.memory_space<vmem>>, vector<16xi32>,
      %max3A_462 = arith.maxsi %max3A_455, %get3A_461 : vector<16xi32>
      %mul3A_463 = arith.constant 16 : i32
      %mul3A_464 = arith.muli %scan3A_278, %mul3A_463 : i32
      %add3A_465 = arith.constant 13824 : i32
      %add3A_466 = arith.addi %add3A_465, %mul3A_464 : i32
      %get3A_467 = arith.index_cast %add3A_466 : i32 to index
      %get3A_468 = tpu.vector_load %arg6[%get3A_467] {strides = array<i32>} : memref<16384xi32, #tpu.memory_space<vmem>>, vector<16xi32>,
      %max3A_469 = arith.maxsi %max3A_462, %get3A_468 : vector<16xi32>
      %mul3A_470 = arith.constant 16 : i32
      %mul3A_471 = arith.muli %scan3A_278, %mul3A_470 : i32
      %add3A_472 = arith.constant 14336 : i32
      %add3A_473 = arith.addi %add3A_472, %mul3A_471 : i32
      %get3A_474 = arith.index_cast %add3A_473 : i32 to index
      %get3A_475 = tpu.vector_load %arg6[%get3A_474] {strides = array<i32>} : memref<16384xi32, #tpu.memory_space<vmem>>, vector<16xi32>,
      %max3A_476 = arith.maxsi %max3A_469, %get3A_475 : vector<16xi32>
      %mul3A_477 = arith.constant 16 : i32
      %mul3A_478 = arith.muli %scan3A_278, %mul3A_477 : i32
      %add3A_479 = arith.constant 14848 : i32
      %add3A_480 = arith.addi %add3A_479, %mul3A_478 : i32
      %get3A_481 = arith.index_cast %add3A_480 : i32 to index
      %get3A_482 = tpu.vector_load %arg6[%get3A_481] {strides = array<i32>} : memref<16384xi32, #tpu.memory_space<vmem>>, vector<16xi32>,
      %max3A_483 = arith.maxsi %max3A_476, %get3A_482 : vector<16xi32>
      %mul3A_484 = arith.constant 16 : i32
      %mul3A_485 = arith.muli %scan3A_278, %mul3A_484 : i32
      %add3A_486 = arith.constant 15360 : i32
      %add3A_487 = arith.addi %add3A_486, %mul3A_485 : i32
      %get3A_488 = arith.index_cast %add3A_487 : i32 to index
      %get3A_489 = tpu.vector_load %arg6[%get3A_488] {strides = array<i32>} : memref<16384xi32, #tpu.memory_space<vmem>>, vector<16xi32>,
      %max3A_490 = arith.maxsi %max3A_483, %get3A_489 : vector<16xi32>
      %mul3A_491 = arith.constant 16 : i32
      %mul3A_492 = arith.muli %scan3A_278, %mul3A_491 : i32
      %add3A_493 = arith.constant 15872 : i32
      %add3A_494 = arith.addi %add3A_493, %mul3A_492 : i32
      %get3A_495 = arith.index_cast %add3A_494 : i32 to index
      %get3A_496 = tpu.vector_load %arg6[%get3A_495] {strides = array<i32>} : memref<16384xi32, #tpu.memory_space<vmem>>, vector<16xi32>,
      %max3A_497 = arith.maxsi %max3A_490, %get3A_496 : vector<16xi32>
      %mul3A_498 = arith.constant 16 : i32
      %mul3A_499 = arith.muli %scan3A_278, %mul3A_498 : i32
      %swap3A = arith.index_cast %mul3A_499 : i32 to index
      %swap3A_500 = tpu.vector_load %arg7[%swap3A] {strides = array<i32>} : memref<512xi32, #tpu.memory_space<vmem>>, vector<16xi32>,
      tpu.vector_store %arg7[%swap3A], %max3A_497 {strides = array<i32>} : memref<512xi32, #tpu.memory_space<vmem>>, vector<16xi32>,
    }
    %scan3A_265 = arith.constant 32 : i32
    %scan3A_266 = arith.constant 0 : i32
    %scan3A_267 = arith.constant 0 : i32
    %scan3A_268 = arith.constant 32 : i32
    %scan3A_269 = arith.addi %scan3A_267, %scan3A_268 : i32
    %scan3A_270 = arith.constant 1 : i32
    scf.for %scan3A_278 = %scan3A_267 to %scan3A_269 step %scan3A_270  : i32 {
      %mul3A_279 = arith.constant 16 : i32
      %mul3A_280 = arith.muli %scan3A_278, %mul3A_279 : i32
      %get3A = arith.index_cast %mul3A_280 : i32 to index
      %get3A_281 = tpu.vector_load %arg7[%get3A] {strides = array<i32>} : memref<512xi32, #tpu.memory_space<vmem>>, vector<16xi32>,
      %max3A = arith.constant 0 : i32
      %max3A_282 = vector.broadcast %max3A : i32 to vector<16xi32>
      %max3A_283 = arith.maxsi %get3A_281, %max3A_282 : vector<16xi32>
      %slice3A = vector.extract_strided_slice %max3A_283 {offsets = [0], sizes = [1], strides = [1]} : vector<16xi32> to vector<1xi32>
      %squeeze3A = vector.extract %slice3A[0] : i32 from vector<1xi32>
      %mul3A_284 = arith.constant 16 : i32
      %mul3A_285 = arith.muli %scan3A_278, %mul3A_284 : i32
      %add3A_286 = arith.constant 0 : i32
      %add3A_287 = arith.addi %mul3A_285, %add3A_286 : i32
      %dma_start3A_288 = arith.constant 0 : i32
      %dma_start3A_289 = tpu.memref_slice %arg8[%add3A_287, %dma_start3A_288] : memref<512x80xf32, #tpu.memory_space<vmem>> -> memref<1x80xf32, #tpu.memory_space<vmem>>
      %dma_start3A_290 = arith.constant 0 : i32
      %dma_start3A_291 = tpu.memref_slice %arg3[%squeeze3A, %dma_start3A_290] : memref<249216x80xf32, #tpu.memory_space<hbm>> -> memref<1x80xf32, #tpu.memory_space<hbm>>
      %dma_start3A_292 = arith.constant 0 : i32
      %dma_start3A_293 = tpu.memref_slice %arg8[%add3A_287, %dma_start3A_292] : memref<512x80xf32, #tpu.memory_space<vmem>> -> memref<1x80xf32, #tpu.memory_space<vmem>>
      %dma_start3A_294 = arith.constant 0 : i32
      %dma_start3A_295 = tpu.memref_slice %arg3[%squeeze3A, %dma_start3A_294] : memref<249216x80xf32, #tpu.memory_space<hbm>> -> memref<1x80xf32, #tpu.memory_space<hbm>>
      tpu.enqueue_dma source(%dma_start3A_295 : memref<1x80xf32, #tpu.memory_space<hbm>>) target(%dma_start3A_293 : memref<1x80xf32, #tpu.memory_space<vmem>>) target_semaphore(%arg10 : memref<!tpu.dma_semaphore, #tpu.memory_space<semaphore_mem>>)
      %slice3A_296 = vector.extract_strided_slice %max3A_283 {offsets = [1], sizes = [1], strides = [1]} : vector<16xi32> to vector<1xi32>
      %squeeze3A_297 = vector.extract %slice3A_296[0] : i32 from vector<1xi32>
      %mul3A_298 = arith.constant 16 : i32
      %mul3A_299 = arith.muli %scan3A_278, %mul3A_298 : i32
      %add3A_300 = arith.constant 1 : i32
      %add3A_301 = arith.addi %mul3A_299, %add3A_300 : i32
      %dma_start3A_302 = arith.constant 0 : i32
      %dma_start3A_303 = tpu.memref_slice %arg8[%add3A_301, %dma_start3A_302] : memref<512x80xf32, #tpu.memory_space<vmem>> -> memref<1x80xf32, #tpu.memory_space<vmem>>
      %dma_start3A_304 = arith.constant 0 : i32
      %dma_start3A_305 = tpu.memref_slice %arg3[%squeeze3A_297, %dma_start3A_304] : memref<249216x80xf32, #tpu.memory_space<hbm>> -> memref<1x80xf32, #tpu.memory_space<hbm>>
      %dma_start3A_306 = arith.constant 0 : i32
      %dma_start3A_307 = tpu.memref_slice %arg8[%add3A_301, %dma_start3A_306] : memref<512x80xf32, #tpu.memory_space<vmem>> -> memref<1x80xf32, #tpu.memory_space<vmem>>
      %dma_start3A_308 = arith.constant 0 : i32
      %dma_start3A_309 = tpu.memref_slice %arg3[%squeeze3A_297, %dma_start3A_308] : memref<249216x80xf32, #tpu.memory_space<hbm>> -> memref<1x80xf32, #tpu.memory_space<hbm>>
      tpu.enqueue_dma source(%dma_start3A_309 : memref<1x80xf32, #tpu.memory_space<hbm>>) target(%dma_start3A_307 : memref<1x80xf32, #tpu.memory_space<vmem>>) target_semaphore(%arg10 : memref<!tpu.dma_semaphore, #tpu.memory_space<semaphore_mem>>)
      %slice3A_310 = vector.extract_strided_slice %max3A_283 {offsets = [2], sizes = [1], strides = [1]} : vector<16xi32> to vector<1xi32>
      %squeeze3A_311 = vector.extract %slice3A_310[0] : i32 from vector<1xi32>
      %mul3A_312 = arith.constant 16 : i32
      %mul3A_313 = arith.muli %scan3A_278, %mul3A_312 : i32
      %add3A_314 = arith.constant 2 : i32
      %add3A_315 = arith.addi %mul3A_313, %add3A_314 : i32
      %dma_start3A_316 = arith.constant 0 : i32
      %dma_start3A_317 = tpu.memref_slice %arg8[%add3A_315, %dma_start3A_316] : memref<512x80xf32, #tpu.memory_space<vmem>> -> memref<1x80xf32, #tpu.memory_space<vmem>>
      %dma_start3A_318 = arith.constant 0 : i32
      %dma_start3A_319 = tpu.memref_slice %arg3[%squeeze3A_311, %dma_start3A_318] : memref<249216x80xf32, #tpu.memory_space<hbm>> -> memref<1x80xf32, #tpu.memory_space<hbm>>
      %dma_start3A_320 = arith.constant 0 : i32
      %dma_start3A_321 = tpu.memref_slice %arg8[%add3A_315, %dma_start3A_320] : memref<512x80xf32, #tpu.memory_space<vmem>> -> memref<1x80xf32, #tpu.memory_space<vmem>>
      %dma_start3A_322 = arith.constant 0 : i32
      %dma_start3A_323 = tpu.memref_slice %arg3[%squeeze3A_311, %dma_start3A_322] : memref<249216x80xf32, #tpu.memory_space<hbm>> -> memref<1x80xf32, #tpu.memory_space<hbm>>
      tpu.enqueue_dma source(%dma_start3A_323 : memref<1x80xf32, #tpu.memory_space<hbm>>) target(%dma_start3A_321 : memref<1x80xf32, #tpu.memory_space<vmem>>) target_semaphore(%arg10 : memref<!tpu.dma_semaphore, #tpu.memory_space<semaphore_mem>>)
      %slice3A_324 = vector.extract_strided_slice %max3A_283 {offsets = [3], sizes = [1], strides = [1]} : vector<16xi32> to vector<1xi32>
      %squeeze3A_325 = vector.extract %slice3A_324[0] : i32 from vector<1xi32>
      %mul3A_326 = arith.constant 16 : i32
      %mul3A_327 = arith.muli %scan3A_278, %mul3A_326 : i32
      %add3A_328 = arith.constant 3 : i32
      %add3A_329 = arith.addi %mul3A_327, %add3A_328 : i32
      %dma_start3A_330 = arith.constant 0 : i32
      %dma_start3A_331 = tpu.memref_slice %arg8[%add3A_329, %dma_start3A_330] : memref<512x80xf32, #tpu.memory_space<vmem>> -> memref<1x80xf32, #tpu.memory_space<vmem>>
      %dma_start3A_332 = arith.constant 0 : i32
      %dma_start3A_333 = tpu.memref_slice %arg3[%squeeze3A_325, %dma_start3A_332] : memref<249216x80xf32, #tpu.memory_space<hbm>> -> memref<1x80xf32, #tpu.memory_space<hbm>>
      %dma_start3A_334 = arith.constant 0 : i32
      %dma_start3A_335 = tpu.memref_slice %arg8[%add3A_329, %dma_start3A_334] : memref<512x80xf32, #tpu.memory_space<vmem>> -> memref<1x80xf32, #tpu.memory_space<vmem>>
      %dma_start3A_336 = arith.constant 0 : i32
      %dma_start3A_337 = tpu.memref_slice %arg3[%squeeze3A_325, %dma_start3A_336] : memref<249216x80xf32, #tpu.memory_space<hbm>> -> memref<1x80xf32, #tpu.memory_space<hbm>>
      tpu.enqueue_dma source(%dma_start3A_337 : memref<1x80xf32, #tpu.memory_space<hbm>>) target(%dma_start3A_335 : memref<1x80xf32, #tpu.memory_space<vmem>>) target_semaphore(%arg10 : memref<!tpu.dma_semaphore, #tpu.memory_space<semaphore_mem>>)
      %slice3A_338 = vector.extract_strided_slice %max3A_283 {offsets = [4], sizes = [1], strides = [1]} : vector<16xi32> to vector<1xi32>
      %squeeze3A_339 = vector.extract %slice3A_338[0] : i32 from vector<1xi32>
      %mul3A_340 = arith.constant 16 : i32
      %mul3A_341 = arith.muli %scan3A_278, %mul3A_340 : i32
      %add3A_342 = arith.constant 4 : i32
      %add3A_343 = arith.addi %mul3A_341, %add3A_342 : i32
      %dma_start3A_344 = arith.constant 0 : i32
      %dma_start3A_345 = tpu.memref_slice %arg8[%add3A_343, %dma_start3A_344] : memref<512x80xf32, #tpu.memory_space<vmem>> -> memref<1x80xf32, #tpu.memory_space<vmem>>
      %dma_start3A_346 = arith.constant 0 : i32
      %dma_start3A_347 = tpu.memref_slice %arg3[%squeeze3A_339, %dma_start3A_346] : memref<249216x80xf32, #tpu.memory_space<hbm>> -> memref<1x80xf32, #tpu.memory_space<hbm>>
      %dma_start3A_348 = arith.constant 0 : i32
      %dma_start3A_349 = tpu.memref_slice %arg8[%add3A_343, %dma_start3A_348] : memref<512x80xf32, #tpu.memory_space<vmem>> -> memref<1x80xf32, #tpu.memory_space<vmem>>
      %dma_start3A_350 = arith.constant 0 : i32
      %dma_start3A_351 = tpu.memref_slice %arg3[%squeeze3A_339, %dma_start3A_350] : memref<249216x80xf32, #tpu.memory_space<hbm>> -> memref<1x80xf32, #tpu.memory_space<hbm>>
      tpu.enqueue_dma source(%dma_start3A_351 : memref<1x80xf32, #tpu.memory_space<hbm>>) target(%dma_start3A_349 : memref<1x80xf32, #tpu.memory_space<vmem>>) target_semaphore(%arg10 : memref<!tpu.dma_semaphore, #tpu.memory_space<semaphore_mem>>)
      %slice3A_352 = vector.extract_strided_slice %max3A_283 {offsets = [5], sizes = [1], strides = [1]} : vector<16xi32> to vector<1xi32>
      %squeeze3A_353 = vector.extract %slice3A_352[0] : i32 from vector<1xi32>
      %mul3A_354 = arith.constant 16 : i32
      %mul3A_355 = arith.muli %scan3A_278, %mul3A_354 : i32
      %add3A_356 = arith.constant 5 : i32
      %add3A_357 = arith.addi %mul3A_355, %add3A_356 : i32
      %dma_start3A_358 = arith.constant 0 : i32
      %dma_start3A_359 = tpu.memref_slice %arg8[%add3A_357, %dma_start3A_358] : memref<512x80xf32, #tpu.memory_space<vmem>> -> memref<1x80xf32, #tpu.memory_space<vmem>>
      %dma_start3A_360 = arith.constant 0 : i32
      %dma_start3A_361 = tpu.memref_slice %arg3[%squeeze3A_353, %dma_start3A_360] : memref<249216x80xf32, #tpu.memory_space<hbm>> -> memref<1x80xf32, #tpu.memory_space<hbm>>
      %dma_start3A_362 = arith.constant 0 : i32
      %dma_start3A_363 = tpu.memref_slice %arg8[%add3A_357, %dma_start3A_362] : memref<512x80xf32, #tpu.memory_space<vmem>> -> memref<1x80xf32, #tpu.memory_space<vmem>>
      %dma_start3A_364 = arith.constant 0 : i32
      %dma_start3A_365 = tpu.memref_slice %arg3[%squeeze3A_353, %dma_start3A_364] : memref<249216x80xf32, #tpu.memory_space<hbm>> -> memref<1x80xf32, #tpu.memory_space<hbm>>
      tpu.enqueue_dma source(%dma_start3A_365 : memref<1x80xf32, #tpu.memory_space<hbm>>) target(%dma_start3A_363 : memref<1x80xf32, #tpu.memory_space<vmem>>) target_semaphore(%arg10 : memref<!tpu.dma_semaphore, #tpu.memory_space<semaphore_mem>>)
      %slice3A_366 = vector.extract_strided_slice %max3A_283 {offsets = [6], sizes = [1], strides = [1]} : vector<16xi32> to vector<1xi32>
      %squeeze3A_367 = vector.extract %slice3A_366[0] : i32 from vector<1xi32>
      %mul3A_368 = arith.constant 16 : i32
      %mul3A_369 = arith.muli %scan3A_278, %mul3A_368 : i32
      %add3A_370 = arith.constant 6 : i32
      %add3A_371 = arith.addi %mul3A_369, %add3A_370 : i32
      %dma_start3A_372 = arith.constant 0 : i32
      %dma_start3A_373 = tpu.memref_slice %arg8[%add3A_371, %dma_start3A_372] : memref<512x80xf32, #tpu.memory_space<vmem>> -> memref<1x80xf32, #tpu.memory_space<vmem>>
      %dma_start3A_374 = arith.constant 0 : i32
      %dma_start3A_375 = tpu.memref_slice %arg3[%squeeze3A_367, %dma_start3A_374] : memref<249216x80xf32, #tpu.memory_space<hbm>> -> memref<1x80xf32, #tpu.memory_space<hbm>>
      %dma_start3A_376 = arith.constant 0 : i32
      %dma_start3A_377 = tpu.memref_slice %arg8[%add3A_371, %dma_start3A_376] : memref<512x80xf32, #tpu.memory_space<vmem>> -> memref<1x80xf32, #tpu.memory_space<vmem>>
      %dma_start3A_378 = arith.constant 0 : i32
      %dma_start3A_379 = tpu.memref_slice %arg3[%squeeze3A_367, %dma_start3A_378] : memref<249216x80xf32, #tpu.memory_space<hbm>> -> memref<1x80xf32, #tpu.memory_space<hbm>>
      tpu.enqueue_dma source(%dma_start3A_379 : memref<1x80xf32, #tpu.memory_space<hbm>>) target(%dma_start3A_377 : memref<1x80xf32, #tpu.memory_space<vmem>>) target_semaphore(%arg10 : memref<!tpu.dma_semaphore, #tpu.memory_space<semaphore_mem>>)
      %slice3A_380 = vector.extract_strided_slice %max3A_283 {offsets = [7], sizes = [1], strides = [1]} : vector<16xi32> to vector<1xi32>
      %squeeze3A_381 = vector.extract %slice3A_380[0] : i32 from vector<1xi32>
      %mul3A_382 = arith.constant 16 : i32
      %mul3A_383 = arith.muli %scan3A_278, %mul3A_382 : i32
      %add3A_384 = arith.constant 7 : i32
      %add3A_385 = arith.addi %mul3A_383, %add3A_384 : i32
      %dma_start3A_386 = arith.constant 0 : i32
      %dma_start3A_387 = tpu.memref_slice %arg8[%add3A_385, %dma_start3A_386] : memref<512x80xf32, #tpu.memory_space<vmem>> -> memref<1x80xf32, #tpu.memory_space<vmem>>
      %dma_start3A_388 = arith.constant 0 : i32
      %dma_start3A_389 = tpu.memref_slice %arg3[%squeeze3A_381, %dma_start3A_388] : memref<249216x80xf32, #tpu.memory_space<hbm>> -> memref<1x80xf32, #tpu.memory_space<hbm>>
      %dma_start3A_390 = arith.constant 0 : i32
      %dma_start3A_391 = tpu.memref_slice %arg8[%add3A_385, %dma_start3A_390] : memref<512x80xf32, #tpu.memory_space<vmem>> -> memref<1x80xf32, #tpu.memory_space<vmem>>
      %dma_start3A_392 = arith.constant 0 : i32
      %dma_start3A_393 = tpu.memref_slice %arg3[%squeeze3A_381, %dma_start3A_392] : memref<249216x80xf32, #tpu.memory_space<hbm>> -> memref<1x80xf32, #tpu.memory_space<hbm>>
      tpu.enqueue_dma source(%dma_start3A_393 : memref<1x80xf32, #tpu.memory_space<hbm>>) target(%dma_start3A_391 : memref<1x80xf32, #tpu.memory_space<vmem>>) target_semaphore(%arg10 : memref<!tpu.dma_semaphore, #tpu.memory_space<semaphore_mem>>)
      %slice3A_394 = vector.extract_strided_slice %max3A_283 {offsets = [8], sizes = [1], strides = [1]} : vector<16xi32> to vector<1xi32>
      %squeeze3A_395 = vector.extract %slice3A_394[0] : i32 from vector<1xi32>
      %mul3A_396 = arith.constant 16 : i32
      %mul3A_397 = arith.muli %scan3A_278, %mul3A_396 : i32
      %add3A_398 = arith.constant 8 : i32
      %add3A_399 = arith.addi %mul3A_397, %add3A_398 : i32
      %dma_start3A_400 = arith.constant 0 : i32
      %dma_start3A_401 = tpu.memref_slice %arg8[%add3A_399, %dma_start3A_400] : memref<512x80xf32, #tpu.memory_space<vmem>> -> memref<1x80xf32, #tpu.memory_space<vmem>>
      %dma_start3A_402 = arith.constant 0 : i32
      %dma_start3A_403 = tpu.memref_slice %arg3[%squeeze3A_395, %dma_start3A_402] : memref<249216x80xf32, #tpu.memory_space<hbm>> -> memref<1x80xf32, #tpu.memory_space<hbm>>
      %dma_start3A_404 = arith.constant 0 : i32
      %dma_start3A_405 = tpu.memref_slice %arg8[%add3A_399, %dma_start3A_404] : memref<512x80xf32, #tpu.memory_space<vmem>> -> memref<1x80xf32, #tpu.memory_space<vmem>>
      %dma_start3A_406 = arith.constant 0 : i32
      %dma_start3A_407 = tpu.memref_slice %arg3[%squeeze3A_395, %dma_start3A_406] : memref<249216x80xf32, #tpu.memory_space<hbm>> -> memref<1x80xf32, #tpu.memory_space<hbm>>
      tpu.enqueue_dma source(%dma_start3A_407 : memref<1x80xf32, #tpu.memory_space<hbm>>) target(%dma_start3A_405 : memref<1x80xf32, #tpu.memory_space<vmem>>) target_semaphore(%arg10 : memref<!tpu.dma_semaphore, #tpu.memory_space<semaphore_mem>>)
      %slice3A_408 = vector.extract_strided_slice %max3A_283 {offsets = [9], sizes = [1], strides = [1]} : vector<16xi32> to vector<1xi32>
      %squeeze3A_409 = vector.extract %slice3A_408[0] : i32 from vector<1xi32>
      %mul3A_410 = arith.constant 16 : i32
      %mul3A_411 = arith.muli %scan3A_278, %mul3A_410 : i32
      %add3A_412 = arith.constant 9 : i32
      %add3A_413 = arith.addi %mul3A_411, %add3A_412 : i32
      %dma_start3A_414 = arith.constant 0 : i32
      %dma_start3A_415 = tpu.memref_slice %arg8[%add3A_413, %dma_start3A_414] : memref<512x80xf32, #tpu.memory_space<vmem>> -> memref<1x80xf32, #tpu.memory_space<vmem>>
      %dma_start3A_416 = arith.constant 0 : i32
      %dma_start3A_417 = tpu.memref_slice %arg3[%squeeze3A_409, %dma_start3A_416] : memref<249216x80xf32, #tpu.memory_space<hbm>> -> memref<1x80xf32, #tpu.memory_space<hbm>>
      %dma_start3A_418 = arith.constant 0 : i32
      %dma_start3A_419 = tpu.memref_slice %arg8[%add3A_413, %dma_start3A_418] : memref<512x80xf32, #tpu.memory_space<vmem>> -> memref<1x80xf32, #tpu.memory_space<vmem>>
      %dma_start3A_420 = arith.constant 0 : i32
      %dma_start3A_421 = tpu.memref_slice %arg3[%squeeze3A_409, %dma_start3A_420] : memref<249216x80xf32, #tpu.memory_space<hbm>> -> memref<1x80xf32, #tpu.memory_space<hbm>>
      tpu.enqueue_dma source(%dma_start3A_421 : memref<1x80xf32, #tpu.memory_space<hbm>>) target(%dma_start3A_419 : memref<1x80xf32, #tpu.memory_space<vmem>>) target_semaphore(%arg10 : memref<!tpu.dma_semaphore, #tpu.memory_space<semaphore_mem>>)
      %slice3A_422 = vector.extract_strided_slice %max3A_283 {offsets = [10], sizes = [1], strides = [1]} : vector<16xi32> to vector<1xi32>
      %squeeze3A_423 = vector.extract %slice3A_422[0] : i32 from vector<1xi32>
      %mul3A_424 = arith.constant 16 : i32
      %mul3A_425 = arith.muli %scan3A_278, %mul3A_424 : i32
      %add3A_426 = arith.constant 10 : i32
      %add3A_427 = arith.addi %mul3A_425, %add3A_426 : i32
      %dma_start3A_428 = arith.constant 0 : i32
      %dma_start3A_429 = tpu.memref_slice %arg8[%add3A_427, %dma_start3A_428] : memref<512x80xf32, #tpu.memory_space<vmem>> -> memref<1x80xf32, #tpu.memory_space<vmem>>
      %dma_start3A_430 = arith.constant 0 : i32
      %dma_start3A_431 = tpu.memref_slice %arg3[%squeeze3A_423, %dma_start3A_430] : memref<249216x80xf32, #tpu.memory_space<hbm>> -> memref<1x80xf32, #tpu.memory_space<hbm>>
      %dma_start3A_432 = arith.constant 0 : i32
      %dma_start3A_433 = tpu.memref_slice %arg8[%add3A_427, %dma_start3A_432] : memref<512x80xf32, #tpu.memory_space<vmem>> -> memref<1x80xf32, #tpu.memory_space<vmem>>
      %dma_start3A_434 = arith.constant 0 : i32
      %dma_start3A_435 = tpu.memref_slice %arg3[%squeeze3A_423, %dma_start3A_434] : memref<249216x80xf32, #tpu.memory_space<hbm>> -> memref<1x80xf32, #tpu.memory_space<hbm>>
      tpu.enqueue_dma source(%dma_start3A_435 : memref<1x80xf32, #tpu.memory_space<hbm>>) target(%dma_start3A_433 : memref<1x80xf32, #tpu.memory_space<vmem>>) target_semaphore(%arg10 : memref<!tpu.dma_semaphore, #tpu.memory_space<semaphore_mem>>)
      %slice3A_436 = vector.extract_strided_slice %max3A_283 {offsets = [11], sizes = [1], strides = [1]} : vector<16xi32> to vector<1xi32>
      %squeeze3A_437 = vector.extract %slice3A_436[0] : i32 from vector<1xi32>
      %mul3A_438 = arith.constant 16 : i32
      %mul3A_439 = arith.muli %scan3A_278, %mul3A_438 : i32
      %add3A_440 = arith.constant 11 : i32
      %add3A_441 = arith.addi %mul3A_439, %add3A_440 : i32
      %dma_start3A_442 = arith.constant 0 : i32
      %dma_start3A_443 = tpu.memref_slice %arg8[%add3A_441, %dma_start3A_442] : memref<512x80xf32, #tpu.memory_space<vmem>> -> memref<1x80xf32, #tpu.memory_space<vmem>>
      %dma_start3A_444 = arith.constant 0 : i32
      %dma_start3A_445 = tpu.memref_slice %arg3[%squeeze3A_437, %dma_start3A_444] : memref<249216x80xf32, #tpu.memory_space<hbm>> -> memref<1x80xf32, #tpu.memory_space<hbm>>
      %dma_start3A_446 = arith.constant 0 : i32
      %dma_start3A_447 = tpu.memref_slice %arg8[%add3A_441, %dma_start3A_446] : memref<512x80xf32, #tpu.memory_space<vmem>> -> memref<1x80xf32, #tpu.memory_space<vmem>>
      %dma_start3A_448 = arith.constant 0 : i32
      %dma_start3A_449 = tpu.memref_slice %arg3[%squeeze3A_437, %dma_start3A_448] : memref<249216x80xf32, #tpu.memory_space<hbm>> -> memref<1x80xf32, #tpu.memory_space<hbm>>
      tpu.enqueue_dma source(%dma_start3A_449 : memref<1x80xf32, #tpu.memory_space<hbm>>) target(%dma_start3A_447 : memref<1x80xf32, #tpu.memory_space<vmem>>) target_semaphore(%arg10 : memref<!tpu.dma_semaphore, #tpu.memory_space<semaphore_mem>>)
      %slice3A_450 = vector.extract_strided_slice %max3A_283 {offsets = [12], sizes = [1], strides = [1]} : vector<16xi32> to vector<1xi32>
      %squeeze3A_451 = vector.extract %slice3A_450[0] : i32 from vector<1xi32>
      %mul3A_452 = arith.constant 16 : i32
      %mul3A_453 = arith.muli %scan3A_278, %mul3A_452 : i32
      %add3A_454 = arith.constant 12 : i32
      %add3A_455 = arith.addi %mul3A_453, %add3A_454 : i32
      %dma_start3A_456 = arith.constant 0 : i32
      %dma_start3A_457 = tpu.memref_slice %arg8[%add3A_455, %dma_start3A_456] : memref<512x80xf32, #tpu.memory_space<vmem>> -> memref<1x80xf32, #tpu.memory_space<vmem>>
      %dma_start3A_458 = arith.constant 0 : i32
      %dma_start3A_459 = tpu.memref_slice %arg3[%squeeze3A_451, %dma_start3A_458] : memref<249216x80xf32, #tpu.memory_space<hbm>> -> memref<1x80xf32, #tpu.memory_space<hbm>>
      %dma_start3A_460 = arith.constant 0 : i32
      %dma_start3A_461 = tpu.memref_slice %arg8[%add3A_455, %dma_start3A_460] : memref<512x80xf32, #tpu.memory_space<vmem>> -> memref<1x80xf32, #tpu.memory_space<vmem>>
      %dma_start3A_462 = arith.constant 0 : i32
      %dma_start3A_463 = tpu.memref_slice %arg3[%squeeze3A_451, %dma_start3A_462] : memref<249216x80xf32, #tpu.memory_space<hbm>> -> memref<1x80xf32, #tpu.memory_space<hbm>>
      tpu.enqueue_dma source(%dma_start3A_463 : memref<1x80xf32, #tpu.memory_space<hbm>>) target(%dma_start3A_461 : memref<1x80xf32, #tpu.memory_space<vmem>>) target_semaphore(%arg10 : memref<!tpu.dma_semaphore, #tpu.memory_space<semaphore_mem>>)
      %slice3A_464 = vector.extract_strided_slice %max3A_283 {offsets = [13], sizes = [1], strides = [1]} : vector<16xi32> to vector<1xi32>
      %squeeze3A_465 = vector.extract %slice3A_464[0] : i32 from vector<1xi32>
      %mul3A_466 = arith.constant 16 : i32
      %mul3A_467 = arith.muli %scan3A_278, %mul3A_466 : i32
      %add3A_468 = arith.constant 13 : i32
      %add3A_469 = arith.addi %mul3A_467, %add3A_468 : i32
      %dma_start3A_470 = arith.constant 0 : i32
      %dma_start3A_471 = tpu.memref_slice %arg8[%add3A_469, %dma_start3A_470] : memref<512x80xf32, #tpu.memory_space<vmem>> -> memref<1x80xf32, #tpu.memory_space<vmem>>
      %dma_start3A_472 = arith.constant 0 : i32
      %dma_start3A_473 = tpu.memref_slice %arg3[%squeeze3A_465, %dma_start3A_472] : memref<249216x80xf32, #tpu.memory_space<hbm>> -> memref<1x80xf32, #tpu.memory_space<hbm>>
      %dma_start3A_474 = arith.constant 0 : i32
      %dma_start3A_475 = tpu.memref_slice %arg8[%add3A_469, %dma_start3A_474] : memref<512x80xf32, #tpu.memory_space<vmem>> -> memref<1x80xf32, #tpu.memory_space<vmem>>
      %dma_start3A_476 = arith.constant 0 : i32
      %dma_start3A_477 = tpu.memref_slice %arg3[%squeeze3A_465, %dma_start3A_476] : memref<249216x80xf32, #tpu.memory_space<hbm>> -> memref<1x80xf32, #tpu.memory_space<hbm>>
      tpu.enqueue_dma source(%dma_start3A_477 : memref<1x80xf32, #tpu.memory_space<hbm>>) target(%dma_start3A_475 : memref<1x80xf32, #tpu.memory_space<vmem>>) target_semaphore(%arg10 : memref<!tpu.dma_semaphore, #tpu.memory_space<semaphore_mem>>)
      %slice3A_478 = vector.extract_strided_slice %max3A_283 {offsets = [14], sizes = [1], strides = [1]} : vector<16xi32> to vector<1xi32>
      %squeeze3A_479 = vector.extract %slice3A_478[0] : i32 from vector<1xi32>
      %mul3A_480 = arith.constant 16 : i32
      %mul3A_481 = arith.muli %scan3A_278, %mul3A_480 : i32
      %add3A_482 = arith.constant 14 : i32
      %add3A_483 = arith.addi %mul3A_481, %add3A_482 : i32
      %dma_start3A_484 = arith.constant 0 : i32
      %dma_start3A_485 = tpu.memref_slice %arg8[%add3A_483, %dma_start3A_484] : memref<512x80xf32, #tpu.memory_space<vmem>> -> memref<1x80xf32, #tpu.memory_space<vmem>>
      %dma_start3A_486 = arith.constant 0 : i32
      %dma_start3A_487 = tpu.memref_slice %arg3[%squeeze3A_479, %dma_start3A_486] : memref<249216x80xf32, #tpu.memory_space<hbm>> -> memref<1x80xf32, #tpu.memory_space<hbm>>
      %dma_start3A_488 = arith.constant 0 : i32
      %dma_start3A_489 = tpu.memref_slice %arg8[%add3A_483, %dma_start3A_488] : memref<512x80xf32, #tpu.memory_space<vmem>> -> memref<1x80xf32, #tpu.memory_space<vmem>>
      %dma_start3A_490 = arith.constant 0 : i32
      %dma_start3A_491 = tpu.memref_slice %arg3[%squeeze3A_479, %dma_start3A_490] : memref<249216x80xf32, #tpu.memory_space<hbm>> -> memref<1x80xf32, #tpu.memory_space<hbm>>
      tpu.enqueue_dma source(%dma_start3A_491 : memref<1x80xf32, #tpu.memory_space<hbm>>) target(%dma_start3A_489 : memref<1x80xf32, #tpu.memory_space<vmem>>) target_semaphore(%arg10 : memref<!tpu.dma_semaphore, #tpu.memory_space<semaphore_mem>>)
      %slice3A_492 = vector.extract_strided_slice %max3A_283 {offsets = [15], sizes = [1], strides = [1]} : vector<16xi32> to vector<1xi32>
      %squeeze3A_493 = vector.extract %slice3A_492[0] : i32 from vector<1xi32>
      %mul3A_494 = arith.constant 16 : i32
      %mul3A_495 = arith.muli %scan3A_278, %mul3A_494 : i32
      %add3A_496 = arith.constant 15 : i32
      %add3A_497 = arith.addi %mul3A_495, %add3A_496 : i32
      %dma_start3A_498 = arith.constant 0 : i32
      %dma_start3A_499 = tpu.memref_slice %arg8[%add3A_497, %dma_start3A_498] : memref<512x80xf32, #tpu.memory_space<vmem>> -> memref<1x80xf32, #tpu.memory_space<vmem>>
      %dma_start3A_500 = arith.constant 0 : i32
      %dma_start3A_501 = tpu.memref_slice %arg3[%squeeze3A_493, %dma_start3A_500] : memref<249216x80xf32, #tpu.memory_space<hbm>> -> memref<1x80xf32, #tpu.memory_space<hbm>>
      %dma_start3A_502 = arith.constant 0 : i32
      %dma_start3A_503 = tpu.memref_slice %arg8[%add3A_497, %dma_start3A_502] : memref<512x80xf32, #tpu.memory_space<vmem>> -> memref<1x80xf32, #tpu.memory_space<vmem>>
      %dma_start3A_504 = arith.constant 0 : i32
      %dma_start3A_505 = tpu.memref_slice %arg3[%squeeze3A_493, %dma_start3A_504] : memref<249216x80xf32, #tpu.memory_space<hbm>> -> memref<1x80xf32, #tpu.memory_space<hbm>>
      tpu.enqueue_dma source(%dma_start3A_505 : memref<1x80xf32, #tpu.memory_space<hbm>>) target(%dma_start3A_503 : memref<1x80xf32, #tpu.memory_space<vmem>>) target_semaphore(%arg10 : memref<!tpu.dma_semaphore, #tpu.memory_space<semaphore_mem>>)
    }
    %scan3A_271 = arith.constant 32 : i32
    %dma_wait3A_272 = arith.constant 0 : i32
    %dma_wait3A_273 = arith.constant 0 : i32
    %dma_wait3A_274 = tpu.memref_slice %arg3[%dma_wait3A_272, %dma_wait3A_273] : memref<249216x80xf32, #tpu.memory_space<hbm>> -> memref<512x80xf32, #tpu.memory_space<hbm>>
    %dma_wait3A_275 = arith.constant 0 : i32
    %dma_wait3A_276 = arith.constant 0 : i32
    %dma_wait3A_277 = tpu.memref_slice %arg3[%dma_wait3A_275, %dma_wait3A_276] : memref<249216x80xf32, #tpu.memory_space<hbm>> -> memref<512x80xf32, #tpu.memory_space<hbm>>
    tpu.wait_dma2 semaphore(%arg10 : memref<!tpu.dma_semaphore, #tpu.memory_space<semaphore_mem>>) src(%dma_wait3A_277 : memref<512x80xf32, #tpu.memory_space<hbm>>) dst(%arg8 : memref<512x80xf32, #tpu.memory_space<vmem>>)
    "tpu.region"() ({
      %run_scoped3A = tpu.sem_alloc : memref<!tpu.dma_semaphore, #tpu.memory_space<semaphore_mem>>
      %dma_start3A_278 = arith.constant 0 : i32
      %dma_start3A_279 = tpu.memref_slice %arg4[%mul3A_2, %dma_start3A_278] : memref<16384x80xf32, #tpu.memory_space<hbm>> -> memref<512x80xf32, #tpu.memory_space<hbm>>
      %dma_start3A_280 = arith.constant 0 : i32
      %dma_start3A_281 = tpu.memref_slice %arg4[%mul3A_2, %dma_start3A_280] : memref<16384x80xf32, #tpu.memory_space<hbm>> -> memref<512x80xf32, #tpu.memory_space<hbm>>
      tpu.enqueue_dma source(%arg8 : memref<512x80xf32, #tpu.memory_space<vmem>>) target(%dma_start3A_281 : memref<512x80xf32, #tpu.memory_space<hbm>>) target_semaphore(%run_scoped3A : memref<!tpu.dma_semaphore, #tpu.memory_space<semaphore_mem>>)
      %dma_wait3A_282 = arith.constant 0 : i32
      %dma_wait3A_283 = tpu.memref_slice %arg4[%mul3A_2, %dma_wait3A_282] : memref<16384x80xf32, #tpu.memory_space<hbm>> -> memref<512x80xf32, #tpu.memory_space<hbm>>
      %dma_wait3A_284 = arith.constant 0 : i32
      %dma_wait3A_285 = tpu.memref_slice %arg4[%mul3A_2, %dma_wait3A_284] : memref<16384x80xf32, #tpu.memory_space<hbm>> -> memref<512x80xf32, #tpu.memory_space<hbm>>
      tpu.wait_dma2 semaphore(%run_scoped3A : memref<!tpu.dma_semaphore, #tpu.memory_space<semaphore_mem>>) src(%arg8 : memref<512x80xf32, #tpu.memory_space<vmem>>) dst(%dma_wait3A_285 : memref<512x80xf32, #tpu.memory_space<hbm>>)
      tpu.yield
    }) : () -> ()
    "tpu.region"() ({
      %run_scoped3A = tpu.sem_alloc : memref<!tpu.dma_semaphore, #tpu.memory_space<semaphore_mem>>
      %dma_start3A_278 = tpu.memref_slice %arg5[%mul3A_2] : memref<16384xi32, #tpu.memory_space<hbm>> -> memref<512xi32, #tpu.memory_space<hbm>>
      %dma_start3A_279 = tpu.memref_slice %arg5[%mul3A_2] : memref<16384xi32, #tpu.memory_space<hbm>> -> memref<512xi32, #tpu.memory_space<hbm>>
      tpu.enqueue_dma source(%arg7 : memref<512xi32, #tpu.memory_space<vmem>>) target(%dma_start3A_279 : memref<512xi32, #tpu.memory_space<hbm>>) target_semaphore(%run_scoped3A : memref<!tpu.dma_semaphore, #tpu.memory_space<semaphore_mem>>)
      %dma_wait3A_280 = tpu.memref_slice %arg5[%mul3A_2] : memref<16384xi32, #tpu.memory_space<hbm>> -> memref<512xi32, #tpu.memory_space<hbm>>
      %dma_wait3A_281 = tpu.memref_slice %arg5[%mul3A_2] : memref<16384xi32, #tpu.memory_space<hbm>> -> memref<512xi32, #tpu.memory_space<hbm>>
      tpu.wait_dma2 semaphore(%run_scoped3A : memref<!tpu.dma_semaphore, #tpu.memory_space<semaphore_mem>>) src(%arg7 : memref<512xi32, #tpu.memory_space<vmem>>) dst(%dma_wait3A_281 : memref<512xi32, #tpu.memory_space<hbm>>)
      tpu.yield
    }) : () -> ()
    return
  }
}

#map = affine_map<(d0, d1) -> (0)>
module attributes {stable_mosaic.version = 14 : i64} {
  func.func @_k1_scatter_max(%arg0: i32, %arg1: i32, %arg2: memref<249856xi32, #tpu.memory_space<hbm>>, %arg3: memref<524288xi32, #tpu.memory_space<hbm>>, %arg4: memref<7808xi32, #tpu.memory_space<vmem>>, %arg5: memref<16512xi32, #tpu.memory_space<vmem>>, %arg6: memref<64xi32, #tpu.memory_space<vmem>>) attributes {dimension_semantics = [#tpu.dimension_semantics<core_parallel>, #tpu.dimension_semantics<subcore_parallel>], iteration_bounds = array<i64: 2, 16>, scalar_prefetch = 0 : i64, scratch_operands = 3 : i64, tpu.core_type = #tpu.core_type<sc_vector_subcore>, window_params = [{transform_indices = #map}, {transform_indices = #map}]} {
    %mul3A = arith.constant 2 : i32
    %mul3A_0 = arith.muli %arg1, %mul3A : i32
    %add3A = arith.addi %mul3A_0, %arg0 : i32
    %mul3A_1 = arith.constant 7808 : i32
    %mul3A_2 = arith.muli %add3A, %mul3A_1 : i32
    "tpu.region"() ({
      %run_scoped3A = tpu.sem_alloc : memref<!tpu.dma_semaphore, #tpu.memory_space<semaphore_mem>>
      %dma_start3A = tpu.memref_slice %arg2[%mul3A_2] : memref<249856xi32, #tpu.memory_space<hbm>> -> memref<7808xi32, #tpu.memory_space<hbm>>
      %dma_start3A_25 = tpu.memref_slice %arg2[%mul3A_2] : memref<249856xi32, #tpu.memory_space<hbm>> -> memref<7808xi32, #tpu.memory_space<hbm>>
      tpu.enqueue_dma source(%dma_start3A_25 : memref<7808xi32, #tpu.memory_space<hbm>>) target(%arg4 : memref<7808xi32, #tpu.memory_space<vmem>>) target_semaphore(%run_scoped3A : memref<!tpu.dma_semaphore, #tpu.memory_space<semaphore_mem>>)
      %dma_wait3A = tpu.memref_slice %arg2[%mul3A_2] : memref<249856xi32, #tpu.memory_space<hbm>> -> memref<7808xi32, #tpu.memory_space<hbm>>
      %dma_wait3A_26 = tpu.memref_slice %arg2[%mul3A_2] : memref<249856xi32, #tpu.memory_space<hbm>> -> memref<7808xi32, #tpu.memory_space<hbm>>
      tpu.wait_dma2 semaphore(%run_scoped3A : memref<!tpu.dma_semaphore, #tpu.memory_space<semaphore_mem>>) src(%dma_wait3A_26 : memref<7808xi32, #tpu.memory_space<hbm>>) dst(%arg4 : memref<7808xi32, #tpu.memory_space<vmem>>)
      tpu.yield
    }) : () -> ()
    %iota3A = tpu.iota {dimensions = array<i32: 0>} : vector<16xi32>
    %broadcast_in_dim3A = arith.constant -1 : i32
    %broadcast_in_dim3A_3 = vector.broadcast %broadcast_in_dim3A : i32 to vector<16xi32>
    %scan3A = arith.constant 0 : i32
    %scan3A_4 = arith.constant 0 : i32
    %scan3A_5 = arith.constant 129 : i32
    %scan3A_6 = arith.addi %scan3A_4, %scan3A_5 : i32
    %scan3A_7 = arith.constant 1 : i32
    scf.for %scan3A_25 = %scan3A_4 to %scan3A_6 step %scan3A_7  : i32 {
      %mul3A_26 = arith.constant 8 : i32
      %mul3A_27 = arith.muli %scan3A_25, %mul3A_26 : i32
      %add3A_28 = arith.constant 0 : i32
      %add3A_29 = arith.addi %mul3A_27, %add3A_28 : i32
      %mul3A_30 = arith.constant 16 : i32
      %mul3A_31 = arith.muli %add3A_29, %mul3A_30 : i32
      %swap3A = arith.index_cast %mul3A_31 : i32 to index
      %swap3A_32 = tpu.vector_load %arg5[%swap3A] {strides = array<i32>} : memref<16512xi32, #tpu.memory_space<vmem>>, vector<16xi32>,
      tpu.vector_store %arg5[%swap3A], %broadcast_in_dim3A_3 {strides = array<i32>} : memref<16512xi32, #tpu.memory_space<vmem>>, vector<16xi32>,
      %mul3A_33 = arith.constant 8 : i32
      %mul3A_34 = arith.muli %scan3A_25, %mul3A_33 : i32
      %add3A_35 = arith.constant 1 : i32
      %add3A_36 = arith.addi %mul3A_34, %add3A_35 : i32
      %mul3A_37 = arith.constant 16 : i32
      %mul3A_38 = arith.muli %add3A_36, %mul3A_37 : i32
      %swap3A_39 = arith.index_cast %mul3A_38 : i32 to index
      %swap3A_40 = tpu.vector_load %arg5[%swap3A_39] {strides = array<i32>} : memref<16512xi32, #tpu.memory_space<vmem>>, vector<16xi32>,
      tpu.vector_store %arg5[%swap3A_39], %broadcast_in_dim3A_3 {strides = array<i32>} : memref<16512xi32, #tpu.memory_space<vmem>>, vector<16xi32>,
      %mul3A_41 = arith.constant 8 : i32
      %mul3A_42 = arith.muli %scan3A_25, %mul3A_41 : i32
      %add3A_43 = arith.constant 2 : i32
      %add3A_44 = arith.addi %mul3A_42, %add3A_43 : i32
      %mul3A_45 = arith.constant 16 : i32
      %mul3A_46 = arith.muli %add3A_44, %mul3A_45 : i32
      %swap3A_47 = arith.index_cast %mul3A_46 : i32 to index
      %swap3A_48 = tpu.vector_load %arg5[%swap3A_47] {strides = array<i32>} : memref<16512xi32, #tpu.memory_space<vmem>>, vector<16xi32>,
      tpu.vector_store %arg5[%swap3A_47], %broadcast_in_dim3A_3 {strides = array<i32>} : memref<16512xi32, #tpu.memory_space<vmem>>, vector<16xi32>,
      %mul3A_49 = arith.constant 8 : i32
      %mul3A_50 = arith.muli %scan3A_25, %mul3A_49 : i32
      %add3A_51 = arith.constant 3 : i32
      %add3A_52 = arith.addi %mul3A_50, %add3A_51 : i32
      %mul3A_53 = arith.constant 16 : i32
      %mul3A_54 = arith.muli %add3A_52, %mul3A_53 : i32
      %swap3A_55 = arith.index_cast %mul3A_54 : i32 to index
      %swap3A_56 = tpu.vector_load %arg5[%swap3A_55] {strides = array<i32>} : memref<16512xi32, #tpu.memory_space<vmem>>, vector<16xi32>,
      tpu.vector_store %arg5[%swap3A_55], %broadcast_in_dim3A_3 {strides = array<i32>} : memref<16512xi32, #tpu.memory_space<vmem>>, vector<16xi32>,
      %mul3A_57 = arith.constant 8 : i32
      %mul3A_58 = arith.muli %scan3A_25, %mul3A_57 : i32
      %add3A_59 = arith.constant 4 : i32
      %add3A_60 = arith.addi %mul3A_58, %add3A_59 : i32
      %mul3A_61 = arith.constant 16 : i32
      %mul3A_62 = arith.muli %add3A_60, %mul3A_61 : i32
      %swap3A_63 = arith.index_cast %mul3A_62 : i32 to index
      %swap3A_64 = tpu.vector_load %arg5[%swap3A_63] {strides = array<i32>} : memref<16512xi32, #tpu.memory_space<vmem>>, vector<16xi32>,
      tpu.vector_store %arg5[%swap3A_63], %broadcast_in_dim3A_3 {strides = array<i32>} : memref<16512xi32, #tpu.memory_space<vmem>>, vector<16xi32>,
      %mul3A_65 = arith.constant 8 : i32
      %mul3A_66 = arith.muli %scan3A_25, %mul3A_65 : i32
      %add3A_67 = arith.constant 5 : i32
      %add3A_68 = arith.addi %mul3A_66, %add3A_67 : i32
      %mul3A_69 = arith.constant 16 : i32
      %mul3A_70 = arith.muli %add3A_68, %mul3A_69 : i32
      %swap3A_71 = arith.index_cast %mul3A_70 : i32 to index
      %swap3A_72 = tpu.vector_load %arg5[%swap3A_71] {strides = array<i32>} : memref<16512xi32, #tpu.memory_space<vmem>>, vector<16xi32>,
      tpu.vector_store %arg5[%swap3A_71], %broadcast_in_dim3A_3 {strides = array<i32>} : memref<16512xi32, #tpu.memory_space<vmem>>, vector<16xi32>,
      %mul3A_73 = arith.constant 8 : i32
      %mul3A_74 = arith.muli %scan3A_25, %mul3A_73 : i32
      %add3A_75 = arith.constant 6 : i32
      %add3A_76 = arith.addi %mul3A_74, %add3A_75 : i32
      %mul3A_77 = arith.constant 16 : i32
      %mul3A_78 = arith.muli %add3A_76, %mul3A_77 : i32
      %swap3A_79 = arith.index_cast %mul3A_78 : i32 to index
      %swap3A_80 = tpu.vector_load %arg5[%swap3A_79] {strides = array<i32>} : memref<16512xi32, #tpu.memory_space<vmem>>, vector<16xi32>,
      tpu.vector_store %arg5[%swap3A_79], %broadcast_in_dim3A_3 {strides = array<i32>} : memref<16512xi32, #tpu.memory_space<vmem>>, vector<16xi32>,
      %mul3A_81 = arith.constant 8 : i32
      %mul3A_82 = arith.muli %scan3A_25, %mul3A_81 : i32
      %add3A_83 = arith.constant 7 : i32
      %add3A_84 = arith.addi %mul3A_82, %add3A_83 : i32
      %mul3A_85 = arith.constant 16 : i32
      %mul3A_86 = arith.muli %add3A_84, %mul3A_85 : i32
      %swap3A_87 = arith.index_cast %mul3A_86 : i32 to index
      %swap3A_88 = tpu.vector_load %arg5[%swap3A_87] {strides = array<i32>} : memref<16512xi32, #tpu.memory_space<vmem>>, vector<16xi32>,
      tpu.vector_store %arg5[%swap3A_87], %broadcast_in_dim3A_3 {strides = array<i32>} : memref<16512xi32, #tpu.memory_space<vmem>>, vector<16xi32>,
    }
    %scan3A_8 = arith.constant 129 : i32
    %sub3A = arith.constant 1 : i32
    %sub3A_9 = vector.broadcast %sub3A : i32 to vector<16xi32>
    %sub3A_10 = arith.subi %iota3A, %sub3A_9 : vector<16xi32>
    %max3A = arith.constant 0 : i32
    %max3A_11 = vector.broadcast %max3A : i32 to vector<16xi32>
    %max3A_12 = arith.maxsi %sub3A_10, %max3A_11 : vector<16xi32>
    %ge3A = arith.constant 1 : i32
    %ge3A_13 = vector.broadcast %ge3A : i32 to vector<16xi32>
    %ge3A_14 = arith.cmpi sge, %iota3A, %ge3A_13 : vector<16xi32>
    %eq3A = arith.constant 15 : i32
    %eq3A_15 = vector.broadcast %eq3A : i32 to vector<16xi32>
    %eq3A_16 = arith.cmpi eq, %iota3A, %eq3A_15 : vector<16xi32>
    %scan3A_17 = arith.constant 0 : i32
    %scan3A_18 = arith.constant 0 : i32
    %scan3A_19 = arith.constant 122 : i32
    %scan3A_20 = arith.addi %scan3A_18, %scan3A_19 : i32
    %scan3A_21 = arith.constant 1 : i32
    scf.for %scan3A_25 = %scan3A_18 to %scan3A_20 step %scan3A_21  : i32 {
      %mul3A_26 = arith.constant 4 : i32
      %mul3A_27 = arith.muli %scan3A_25, %mul3A_26 : i32
      %add3A_28 = arith.constant 0 : i32
      %add3A_29 = arith.addi %mul3A_27, %add3A_28 : i32
      %mul3A_30 = arith.constant 16 : i32
      %mul3A_31 = arith.muli %add3A_29, %mul3A_30 : i32
      %get3A = arith.index_cast %mul3A_31 : i32 to index
      %get3A_32 = tpu.vector_load %arg4[%get3A] {strides = array<i32>} : memref<7808xi32, #tpu.memory_space<vmem>>, vector<16xi32>,
      %mul3A_33 = arith.constant 16 : i32
      %mul3A_34 = arith.muli %add3A_29, %mul3A_33 : i32
      %add3A_35 = arith.addi %mul3A_2, %mul3A_34 : i32
      %add3A_36 = vector.broadcast %add3A_35 : i32 to vector<16xi32>
      %add3A_37 = arith.addi %add3A_36, %iota3A : vector<16xi32>
      %mul3A_38 = arith.constant 16 : i32
      %mul3A_39 = vector.broadcast %mul3A_38 : i32 to vector<16xi32>
      %mul3A_40 = arith.muli %get3A_32, %mul3A_39 : vector<16xi32>
      %add3A_41 = arith.addi %mul3A_40, %iota3A : vector<16xi32>
      %masked_sort3A = arith.constant dense<true> : vector<16xi1>
      %masked_sort3A_42 = arith.constant -2147483648 : i32
      %masked_sort3A_43 = vector.broadcast %masked_sort3A_42 : i32 to vector<16xi32>
      %masked_sort3A_44 = arith.xori %add3A_41, %masked_sort3A_43 : vector<16xi32>
      %masked_sort3A_45, %masked_sort3A_46, %masked_sort3A_47 = tpu.sort %masked_sort3A_44, %add3A_37 masked %masked_sort3A : (vector<16xi32>, vector<16xi32>, vector<16xi1>) -> (vector<16xi1>, vector<16xi32>, vector<16xi32>)
      %masked_sort3A_48 = arith.xori %masked_sort3A_46, %masked_sort3A_43 : vector<16xi32>
      %shift_right_logical3A = arith.constant 4 : i32
      %shift_right_logical3A_49 = vector.broadcast %shift_right_logical3A : i32 to vector<16xi32>
      %shift_right_logical3A_50 = arith.shrui %masked_sort3A_48, %shift_right_logical3A_49 : vector<16xi32>
      %add3A_51 = arith.constant 0 : i32
      %add3A_52 = vector.broadcast %add3A_51 : i32 to vector<16xi32>
      %add3A_53 = arith.addi %max3A_12, %add3A_52 : vector<16xi32>
      tpu.vector_store_idx %arg6[%add3A_53], %shift_right_logical3A_50 masked %ge3A_14 : memref<64xi32, #tpu.memory_space<vmem>>[vector<16xi32>], vector<16xi32>, vector<16xi1>
      %get3A_54 = arith.constant 0 : index
      %get3A_55 = tpu.vector_load %arg6[%get3A_54] {strides = array<i32>} : memref<64xi32, #tpu.memory_space<vmem>>, vector<16xi32>,
      %ne3A = arith.cmpi ne, %shift_right_logical3A_50, %get3A_55 : vector<16xi32>
      %or3A = arith.ori %ne3A, %eq3A_16 : vector<16xi1>
      tpu.vector_store_idx %arg5[%shift_right_logical3A_50], %masked_sort3A_47 masked %or3A : memref<16512xi32, #tpu.memory_space<vmem>>[vector<16xi32>], vector<16xi32>, vector<16xi1>
      %mul3A_56 = arith.constant 4 : i32
      %mul3A_57 = arith.muli %scan3A_25, %mul3A_56 : i32
      %add3A_58 = arith.constant 1 : i32
      %add3A_59 = arith.addi %mul3A_57, %add3A_58 : i32
      %mul3A_60 = arith.constant 16 : i32
      %mul3A_61 = arith.muli %add3A_59, %mul3A_60 : i32
      %get3A_62 = arith.index_cast %mul3A_61 : i32 to index
      %get3A_63 = tpu.vector_load %arg4[%get3A_62] {strides = array<i32>} : memref<7808xi32, #tpu.memory_space<vmem>>, vector<16xi32>,
      %mul3A_64 = arith.constant 16 : i32
      %mul3A_65 = arith.muli %add3A_59, %mul3A_64 : i32
      %add3A_66 = arith.addi %mul3A_2, %mul3A_65 : i32
      %add3A_67 = vector.broadcast %add3A_66 : i32 to vector<16xi32>
      %add3A_68 = arith.addi %add3A_67, %iota3A : vector<16xi32>
      %mul3A_69 = arith.constant 16 : i32
      %mul3A_70 = vector.broadcast %mul3A_69 : i32 to vector<16xi32>
      %mul3A_71 = arith.muli %get3A_63, %mul3A_70 : vector<16xi32>
      %add3A_72 = arith.addi %mul3A_71, %iota3A : vector<16xi32>
      %masked_sort3A_73 = arith.constant dense<true> : vector<16xi1>
      %masked_sort3A_74 = arith.constant -2147483648 : i32
      %masked_sort3A_75 = vector.broadcast %masked_sort3A_74 : i32 to vector<16xi32>
      %masked_sort3A_76 = arith.xori %add3A_72, %masked_sort3A_75 : vector<16xi32>
      %masked_sort3A_77, %masked_sort3A_78, %masked_sort3A_79 = tpu.sort %masked_sort3A_76, %add3A_68 masked %masked_sort3A_73 : (vector<16xi32>, vector<16xi32>, vector<16xi1>) -> (vector<16xi1>, vector<16xi32>, vector<16xi32>)
      %masked_sort3A_80 = arith.xori %masked_sort3A_78, %masked_sort3A_75 : vector<16xi32>
      %shift_right_logical3A_81 = arith.constant 4 : i32
      %shift_right_logical3A_82 = vector.broadcast %shift_right_logical3A_81 : i32 to vector<16xi32>
      %shift_right_logical3A_83 = arith.shrui %masked_sort3A_80, %shift_right_logical3A_82 : vector<16xi32>
      %add3A_84 = arith.constant 16 : i32
      %add3A_85 = vector.broadcast %add3A_84 : i32 to vector<16xi32>
      %add3A_86 = arith.addi %max3A_12, %add3A_85 : vector<16xi32>
      tpu.vector_store_idx %arg6[%add3A_86], %shift_right_logical3A_83 masked %ge3A_14 : memref<64xi32, #tpu.memory_space<vmem>>[vector<16xi32>], vector<16xi32>, vector<16xi1>
      %get3A_87 = arith.constant 16 : index
      %get3A_88 = tpu.vector_load %arg6[%get3A_87] {strides = array<i32>} : memref<64xi32, #tpu.memory_space<vmem>>, vector<16xi32>,
      %ne3A_89 = arith.cmpi ne, %shift_right_logical3A_83, %get3A_88 : vector<16xi32>
      %or3A_90 = arith.ori %ne3A_89, %eq3A_16 : vector<16xi1>
      tpu.vector_store_idx %arg5[%shift_right_logical3A_83], %masked_sort3A_79 masked %or3A_90 : memref<16512xi32, #tpu.memory_space<vmem>>[vector<16xi32>], vector<16xi32>, vector<16xi1>
      %mul3A_91 = arith.constant 4 : i32
      %mul3A_92 = arith.muli %scan3A_25, %mul3A_91 : i32
      %add3A_93 = arith.constant 2 : i32
      %add3A_94 = arith.addi %mul3A_92, %add3A_93 : i32
      %mul3A_95 = arith.constant 16 : i32
      %mul3A_96 = arith.muli %add3A_94, %mul3A_95 : i32
      %get3A_97 = arith.index_cast %mul3A_96 : i32 to index
      %get3A_98 = tpu.vector_load %arg4[%get3A_97] {strides = array<i32>} : memref<7808xi32, #tpu.memory_space<vmem>>, vector<16xi32>,
      %mul3A_99 = arith.constant 16 : i32
      %mul3A_100 = arith.muli %add3A_94, %mul3A_99 : i32
      %add3A_101 = arith.addi %mul3A_2, %mul3A_100 : i32
      %add3A_102 = vector.broadcast %add3A_101 : i32 to vector<16xi32>
      %add3A_103 = arith.addi %add3A_102, %iota3A : vector<16xi32>
      %mul3A_104 = arith.constant 16 : i32
      %mul3A_105 = vector.broadcast %mul3A_104 : i32 to vector<16xi32>
      %mul3A_106 = arith.muli %get3A_98, %mul3A_105 : vector<16xi32>
      %add3A_107 = arith.addi %mul3A_106, %iota3A : vector<16xi32>
      %masked_sort3A_108 = arith.constant dense<true> : vector<16xi1>
      %masked_sort3A_109 = arith.constant -2147483648 : i32
      %masked_sort3A_110 = vector.broadcast %masked_sort3A_109 : i32 to vector<16xi32>
      %masked_sort3A_111 = arith.xori %add3A_107, %masked_sort3A_110 : vector<16xi32>
      %masked_sort3A_112, %masked_sort3A_113, %masked_sort3A_114 = tpu.sort %masked_sort3A_111, %add3A_103 masked %masked_sort3A_108 : (vector<16xi32>, vector<16xi32>, vector<16xi1>) -> (vector<16xi1>, vector<16xi32>, vector<16xi32>)
      %masked_sort3A_115 = arith.xori %masked_sort3A_113, %masked_sort3A_110 : vector<16xi32>
      %shift_right_logical3A_116 = arith.constant 4 : i32
      %shift_right_logical3A_117 = vector.broadcast %shift_right_logical3A_116 : i32 to vector<16xi32>
      %shift_right_logical3A_118 = arith.shrui %masked_sort3A_115, %shift_right_logical3A_117 : vector<16xi32>
      %add3A_119 = arith.constant 32 : i32
      %add3A_120 = vector.broadcast %add3A_119 : i32 to vector<16xi32>
      %add3A_121 = arith.addi %max3A_12, %add3A_120 : vector<16xi32>
      tpu.vector_store_idx %arg6[%add3A_121], %shift_right_logical3A_118 masked %ge3A_14 : memref<64xi32, #tpu.memory_space<vmem>>[vector<16xi32>], vector<16xi32>, vector<16xi1>
      %get3A_122 = arith.constant 32 : index
      %get3A_123 = tpu.vector_load %arg6[%get3A_122] {strides = array<i32>} : memref<64xi32, #tpu.memory_space<vmem>>, vector<16xi32>,
      %ne3A_124 = arith.cmpi ne, %shift_right_logical3A_118, %get3A_123 : vector<16xi32>
      %or3A_125 = arith.ori %ne3A_124, %eq3A_16 : vector<16xi1>
      tpu.vector_store_idx %arg5[%shift_right_logical3A_118], %masked_sort3A_114 masked %or3A_125 : memref<16512xi32, #tpu.memory_space<vmem>>[vector<16xi32>], vector<16xi32>, vector<16xi1>
      %mul3A_126 = arith.constant 4 : i32
      %mul3A_127 = arith.muli %scan3A_25, %mul3A_126 : i32
      %add3A_128 = arith.constant 3 : i32
      %add3A_129 = arith.addi %mul3A_127, %add3A_128 : i32
      %mul3A_130 = arith.constant 16 : i32
      %mul3A_131 = arith.muli %add3A_129, %mul3A_130 : i32
      %get3A_132 = arith.index_cast %mul3A_131 : i32 to index
      %get3A_133 = tpu.vector_load %arg4[%get3A_132] {strides = array<i32>} : memref<7808xi32, #tpu.memory_space<vmem>>, vector<16xi32>,
      %mul3A_134 = arith.constant 16 : i32
      %mul3A_135 = arith.muli %add3A_129, %mul3A_134 : i32
      %add3A_136 = arith.addi %mul3A_2, %mul3A_135 : i32
      %add3A_137 = vector.broadcast %add3A_136 : i32 to vector<16xi32>
      %add3A_138 = arith.addi %add3A_137, %iota3A : vector<16xi32>
      %mul3A_139 = arith.constant 16 : i32
      %mul3A_140 = vector.broadcast %mul3A_139 : i32 to vector<16xi32>
      %mul3A_141 = arith.muli %get3A_133, %mul3A_140 : vector<16xi32>
      %add3A_142 = arith.addi %mul3A_141, %iota3A : vector<16xi32>
      %masked_sort3A_143 = arith.constant dense<true> : vector<16xi1>
      %masked_sort3A_144 = arith.constant -2147483648 : i32
      %masked_sort3A_145 = vector.broadcast %masked_sort3A_144 : i32 to vector<16xi32>
      %masked_sort3A_146 = arith.xori %add3A_142, %masked_sort3A_145 : vector<16xi32>
      %masked_sort3A_147, %masked_sort3A_148, %masked_sort3A_149 = tpu.sort %masked_sort3A_146, %add3A_138 masked %masked_sort3A_143 : (vector<16xi32>, vector<16xi32>, vector<16xi1>) -> (vector<16xi1>, vector<16xi32>, vector<16xi32>)
      %masked_sort3A_150 = arith.xori %masked_sort3A_148, %masked_sort3A_145 : vector<16xi32>
      %shift_right_logical3A_151 = arith.constant 4 : i32
      %shift_right_logical3A_152 = vector.broadcast %shift_right_logical3A_151 : i32 to vector<16xi32>
      %shift_right_logical3A_153 = arith.shrui %masked_sort3A_150, %shift_right_logical3A_152 : vector<16xi32>
      %add3A_154 = arith.constant 48 : i32
      %add3A_155 = vector.broadcast %add3A_154 : i32 to vector<16xi32>
      %add3A_156 = arith.addi %max3A_12, %add3A_155 : vector<16xi32>
      tpu.vector_store_idx %arg6[%add3A_156], %shift_right_logical3A_153 masked %ge3A_14 : memref<64xi32, #tpu.memory_space<vmem>>[vector<16xi32>], vector<16xi32>, vector<16xi1>
      %get3A_157 = arith.constant 48 : index
      %get3A_158 = tpu.vector_load %arg6[%get3A_157] {strides = array<i32>} : memref<64xi32, #tpu.memory_space<vmem>>, vector<16xi32>,
      %ne3A_159 = arith.cmpi ne, %shift_right_logical3A_153, %get3A_158 : vector<16xi32>
      %or3A_160 = arith.ori %ne3A_159, %eq3A_16 : vector<16xi1>
      tpu.vector_store_idx %arg5[%shift_right_logical3A_153], %masked_sort3A_149 masked %or3A_160 : memref<16512xi32, #tpu.memory_space<vmem>>[vector<16xi32>], vector<16xi32>, vector<16xi1>
    }
    %scan3A_22 = arith.constant 122 : i32
    %mul3A_23 = arith.constant 16384 : i32
    %mul3A_24 = arith.muli %add3A, %mul3A_23 : i32
    "tpu.region"() ({
      %run_scoped3A = tpu.sem_alloc : memref<!tpu.dma_semaphore, #tpu.memory_space<semaphore_mem>>
      %dma_start3A = arith.constant 0 : i32
      %dma_start3A_25 = tpu.memref_slice %arg5[%dma_start3A] : memref<16512xi32, #tpu.memory_space<vmem>> -> memref<16384xi32, #tpu.memory_space<vmem>>
      %dma_start3A_26 = tpu.memref_slice %arg3[%mul3A_24] : memref<524288xi32, #tpu.memory_space<hbm>> -> memref<16384xi32, #tpu.memory_space<hbm>>
      %dma_start3A_27 = tpu.memref_slice %arg3[%mul3A_24] : memref<524288xi32, #tpu.memory_space<hbm>> -> memref<16384xi32, #tpu.memory_space<hbm>>
      %dma_start3A_28 = arith.constant 0 : i32
      %dma_start3A_29 = tpu.memref_slice %arg5[%dma_start3A_28] : memref<16512xi32, #tpu.memory_space<vmem>> -> memref<16384xi32, #tpu.memory_space<vmem>>
      tpu.enqueue_dma source(%dma_start3A_29 : memref<16384xi32, #tpu.memory_space<vmem>>) target(%dma_start3A_27 : memref<16384xi32, #tpu.memory_space<hbm>>) target_semaphore(%run_scoped3A : memref<!tpu.dma_semaphore, #tpu.memory_space<semaphore_mem>>)
      %dma_wait3A = arith.constant 0 : i32
      %dma_wait3A_30 = tpu.memref_slice %arg5[%dma_wait3A] : memref<16512xi32, #tpu.memory_space<vmem>> -> memref<16384xi32, #tpu.memory_space<vmem>>
      %dma_wait3A_31 = tpu.memref_slice %arg3[%mul3A_24] : memref<524288xi32, #tpu.memory_space<hbm>> -> memref<16384xi32, #tpu.memory_space<hbm>>
      %dma_wait3A_32 = tpu.memref_slice %arg3[%mul3A_24] : memref<524288xi32, #tpu.memory_space<hbm>> -> memref<16384xi32, #tpu.memory_space<hbm>>
      %dma_wait3A_33 = arith.constant 0 : i32
      %dma_wait3A_34 = tpu.memref_slice %arg5[%dma_wait3A_33] : memref<16512xi32, #tpu.memory_space<vmem>> -> memref<16384xi32, #tpu.memory_space<vmem>>
      tpu.wait_dma2 semaphore(%run_scoped3A : memref<!tpu.dma_semaphore, #tpu.memory_space<semaphore_mem>>) src(%dma_wait3A_34 : memref<16384xi32, #tpu.memory_space<vmem>>) dst(%dma_wait3A_32 : memref<16384xi32, #tpu.memory_space<hbm>>)
      tpu.yield
    }) : () -> ()
    return
  }
}

module attributes {stable_mosaic.version = 14 : i64} {
  func.func @_k3_body(%arg0: i32, %arg1: memref<1024x80xf32, #tpu.memory_space<vmem>>, %arg2: memref<1x1x1024xi32, #tpu.memory_space<vmem>>, %arg3: memref<80x1024xf32, #tpu.memory_space<vmem>>) attributes {dimension_semantics = [#tpu.dimension_semantics<arbitrary>], iteration_bounds = array<i64: 16>, scalar_prefetch = 0 : i64, scratch_operands = 0 : i64, tpu.core_type = #tpu.core_type<tc>, window_params = [{transform_indices = @transform_0, window_bounds = array<i64: 1024, 80>}, {transform_indices = @transform_1, window_bounds = array<i64: 1, 1, 1024>}, {transform_indices = @transform_2, window_bounds = array<i64: 80, 1024>}]} {
    %get3A = arith.constant 0 : index
    %get3A_0 = arith.constant 0 : index
    %get3A_1 = vector.load %arg1[%get3A, %get3A_0] : memref<1024x80xf32, #tpu.memory_space<vmem>>, vector<1024x80xf32>
    %get3A_2 = arith.constant 0 : index
    %get3A_3 = arith.constant 0 : index
    %get3A_4 = arith.constant 0 : index
    %get3A_5 = vector.load %arg2[%get3A_2, %get3A_3, %get3A_4] : memref<1x1x1024xi32, #tpu.memory_space<vmem>>, vector<1x1x1024xi32>
    %get3A_6 = vector.shape_cast %get3A_5 : vector<1x1x1024xi32> to vector<1x1024xi32>
    %transpose3A = tpu.transpose %get3A_1, [1, 0] : vector<1024x80xf32> -> vector<80x1024xf32>
    %ge3A = arith.constant 0 : i32
    %ge3A_7 = vector.broadcast %ge3A : i32 to vector<1x1024xi32>
    %ge3A_8 = arith.cmpi sge, %get3A_6, %ge3A_7 : vector<1x1024xi32>
    %jit3A = arith.constant 0.000000e+00 : f32
    %broadcast_in_dim3A = vector.shape_cast %ge3A_8 : vector<1x1024xi1> to vector<1x1024xi1>
    %broadcast_in_dim3A_9 = vector.broadcast %broadcast_in_dim3A : vector<1x1024xi1> to vector<80x1024xi1>
    %broadcast_in_dim3A_10 = vector.broadcast %jit3A : f32 to vector<80x1024xf32>
    %select_n3A = arith.select %broadcast_in_dim3A_9, %transpose3A, %broadcast_in_dim3A_10 : vector<80x1024xi1>, vector<80x1024xf32>
    %swap3A = arith.constant 0 : index
    %swap3A_11 = arith.constant 0 : index
    %swap3A_12 = vector.load %arg3[%swap3A, %swap3A_11] : memref<80x1024xf32, #tpu.memory_space<vmem>>, vector<80x1024xf32>
    tpu.vector_store %arg3[%swap3A, %swap3A_11], %select_n3A {strides = array<i32>} : memref<80x1024xf32, #tpu.memory_space<vmem>>, vector<80x1024xf32>,
    return
  }
  func.func @transform_0(%arg0: i32) -> (i32, i32) {
    %c0_i32 = arith.constant 0 : i32
    %c0_i32_0 = arith.constant 0 : i32
    return %arg0, %c0_i32 : i32, i32
  }
  func.func @transform_1(%arg0: i32) -> (i32, i32, i32) {
    %c0_i32 = arith.constant 0 : i32
    %c0_i32_0 = arith.constant 0 : i32
    %c0_i32_1 = arith.constant 0 : i32
    return %arg0, %c0_i32, %c0_i32_0 : i32, i32, i32
  }
  func.func @transform_2(%arg0: i32) -> (i32, i32) {
    %c0_i32 = arith.constant 0 : i32
    %c0_i32_0 = arith.constant 0 : i32
    return %c0_i32, %arg0 : i32, i32
  }
}

</mosaic_0001>

<sc_bundles>
// kernel: kernel.5.cloned.1.call-start
scs
__scs_entry_jumppad:
0x0: {  	(pc) =	sbr.rel $0x88, $3  }
0x1: {  	(tag) =	ssettag $0x0;
	lr =	simm.s32 $0x1  }
0x2: {  	[smem:$0x3F9F] =	sst lr;
	_ =	strace $0xD0000000  }
0x3: {  	_ = 	snop  }
0x4: {  	_ = 	snop  }
0x5: {  	_ = 	snop  }
0x6: {  	_ = 	snop  }
0x7: {  	_ = 	snop  }
__scs_overlays_trampoline_lowered:
0x8: {  	[smem:$0x3FAE] =	sst s0  }
0x9: {  	[smem:$0x3FAF] =	sst s1  }
0xa: {  	[smem:$0x3FB0] =	sst s2  }
0xb: {  	[smem:$0x3FB1] =	sst s3  }
0xc: {  	[smem:$0x3FB2] =	sst s4  }
0xd: {  	[smem:$0x3FB3] =	sst s5  }
0xe: {  	[smem:$0x3FB4] =	sst s6  }
0xf: {  	[smem:$0x3FB5] =	sst s7  }
0x10: {  	[smem:$0x3FB6] =	sst s8  }
0x11: {  	[smem:$0x3FB7] =	sst s9;
	s0 =	simm.s32 @!p0 $0x0  }
0x12: {  	s1 =	sld [smem:$0x3F9D];
	s0 =	simm.s32 @p0 $0x1  }
0x13: {  	[smem:$0x3FB8] =	sst s0;
	s0 =	simm.s32 @!p1 $0x0  }
0x14: {  	s2 =	sld [smem:$0x3F9C];
	s0 =	simm.s32 @p1 $0x1  }
0x15: {  	[smem:$0x3FB9] =	sst s0;
	s0 =	simm.s32 @!p2 $0x0  }
0x16: {  	s3 =	sld [smem:$0x3FDB];
	s0 =	simm.s32 @p2 $0x1  }
0x17: {  	s4 =	simm.s32 $0x1BF5;
	[smem:$0x3FBB] =	sst s0  }
0x18: {  	s0 =	sld [smem:$0x3F9E];
	_ =	swait.ge [sflag:s4], $0x0  }
0x19: {  	s7 =	sld [smem:$0x3F9F]  }
0x1a: {  	s8 =	sadd.s32 $0xFFFFE003, lr  }
0x1b: {  	s9 =	sadd.s32 $0xFFFFFEF7, lr;
	s5 =	simm.s32 $0xFFFFFFFF;
	p2 =	slt.u32 s8, $0xFFFFF086  }
0x1c: {  	p1 =	slt.u32 s9, $0xF7A;
	s5 =	simm.s32 @!p2 $0x0  }
0x1d: {  	s5 =	simm.s32 @p1 $0x1;
	p0 =	seq.s32 s7, s2  }
0x1e: {  	s7 =	smul.u32 @!p0 $0xF7A, s2;
	p2 =	seq.s32 @!p0 s5, $0x0  }
0x1f: {  	s9 =	smul.u32 $0xF7A, s1;
	s8 =	simm.s32 @!p0 $0x1BF5;
	p2 =	por !p2, p0  }
0x20: {  	[sflag:s8] =	ssyncset.s32 @!p0 $0xFFFFF086;
	s6 =	sadd.s32 @!p0 s3, s7;
	s7 =	simm.s32 @!p0 $0x108  }
0x21: {  	s3 =	sadd.s32 s3, s9;
	s6 =	sadd.s32 @!p0 $0x88, s6;
	s7 =	simm.s32 @p2 $0x1082  }
0x22: {  	[simem:s7], [sflag:s8] =	dma.local @!p0 [hbm:s6], $0xF7A  }
0x23: {  	s9 =	sor.u32 $0xD0000000, s2;
	s6 =	simm.s32 $0x108;
	_ =	swait.ge @!p0 [sflag:s8], $0x0  }
0x24: {  	s3 =	sadd.s32 $0x88, s3;
	s6 =	simm.s32 @!p1 $0x1082;
	[sflag:s4] =	ssyncset.s32 $0xFFFFF086  }
0x25: {  	[simem:s6], [sflag:s4] =	dma.local [hbm:s3], $0xF7A  }
0x26: {  	[smem:$0x3F9F] =	sst s1;
	(tag) =	ssettag s2;
	_ =	strace s9  }
0x27: {  	s1 =	sld [smem:$0x3FAF]  }
0x28: {  	s2 =	sld [smem:$0x3FB0]  }
0x29: {  	s4 =	sld [smem:$0x3FB2]  }
0x2a: {  	p0 =	seq.s32 s5, $0x0;
	s5 =	sld [smem:$0x3FB3]  }
0x2b: {  	s6 =	sld [smem:$0x3FB4]  }
0x2c: {  	s7 =	sld [smem:$0x3FB5]  }
0x2d: {  	s3 =	simm.s32 $0x108;
	s8 =	sld [smem:$0x3FB6]  }
0x2e: {  	s3 =	simm.s32 @!p0 $0x1082;
	s9 =	sld [smem:$0x3FB7]  }
0x2f: {  	lr =	sadd.s32 s0, s3;
	s0 =	sld [smem:$0x3FAE]  }
0x30: {  	s3 =	sld [smem:$0x3FB1]  }
0x31: {  	[smem:$0x3FBA] =	sst s10  }
0x32: {  	s10 =	sld [smem:$0x3FB8];
	_ =	sdelay $0x3  }
0x33: {  	p0 =	seq.s32 s10, $0x1;
	s10 =	sld [smem:$0x3FBA];
	_ =	sdelay $0x3  }
0x34: {  	[smem:$0x3FBA] =	sst s10  }
0x35: {  	s10 =	sld [smem:$0x3FB9];
	_ =	sdelay $0x3  }
0x36: {  	p1 =	seq.s32 s10, $0x1;
	s10 =	sld [smem:$0x3FBA];
	_ =	sdelay $0x3  }
0x37: {  	[smem:$0x3FBA] =	sst s10  }
0x38: {  	s10 =	sld [smem:$0x3FBB]  }
0x39: {  	_ = 	snop;
	(pc) =	sbr.ind lr, $3  }
0x3a: {  	_ = 	snop  }
0x3b: {  	_ = 	snop  }
0x3c: {  	p2 =	seq.s32 s10, $0x1;
	s10 =	sld [smem:$0x3FBA]  }
0x3d: {  	_ =	shalt  }
0x3e: {  	_ =	shalt  }
0x3f: {  	_ =	shalt  }
0x40: {  	_ =	shalt  }
0x41: {  	_ =	shalt  }
0x42: {  	_ =	shalt  }
0x43: {  	_ =	shalt  }
0x44: {  	_ =	shalt  }
0x45: {  	_ =	shalt  }
0x46: {  	_ =	shalt  }
0x47: {  	_ =	shalt  }
0x48: {  	_ =	shalt  }
0x49: {  	_ =	shalt  }
0x4a: {  	_ =	shalt  }
0x4b: {  	_ =	shalt  }
0x4c: {  	_ =	shalt  }
0x4d: {  	_ =	shalt  }
0x4e: {  	_ =	shalt  }
0x4f: {  	_ =	shalt  }
0x50: {  	_ =	shalt  }
0x51: {  	_ =	shalt  }
0x52: {  	_ =	shalt  }
0x53: {  	_ =	shalt  }
0x54: {  	_ =	shalt  }
0x55: {  	_ =	shalt  }
0x56: {  	_ =	shalt  }
0x57: {  	_ =	shalt  }
0x58: {  	_ =	shalt  }
0x59: {  	_ =	shalt  }
0x5a: {  	_ =	shalt  }
0x5b: {  	_ =	shalt  }
0x5c: {  	_ =	shalt  }
0x5d: {  	_ =	shalt  }
0x5e: {  	_ =	shalt  }
0x5f: {  	_ =	shalt  }
0x60: {  	_ =	shalt  }
0x61: {  	_ =	shalt  }
0x62: {  	_ =	shalt  }
0x63: {  	_ =	shalt  }
0x64: {  	_ =	shalt  }
0x65: {  	_ =	shalt  }
0x66: {  	_ =	shalt  }
0x67: {  	_ =	shalt  }
0x68: {  	_ =	shalt  }
0x69: {  	_ =	shalt  }
0x6a: {  	_ =	shalt  }
0x6b: {  	_ =	shalt  }
0x6c: {  	_ =	shalt  }
0x6d: {  	_ =	shalt  }
0x6e: {  	_ =	shalt  }
0x6f: {  	_ =	shalt  }
0x70: {  	_ =	shalt  }
0x71: {  	_ =	shalt  }
0x72: {  	_ =	shalt  }
0x73: {  	_ =	shalt  }
0x74: {  	_ =	shalt  }
0x75: {  	_ =	shalt  }
0x76: {  	_ =	shalt  }
0x77: {  	_ =	shalt  }
0x78: {  	_ =	shalt  }
0x79: {  	_ =	shalt  }
0x7a: {  	_ =	shalt  }
0x7b: {  	_ =	shalt  }
0x7c: {  	_ =	shalt  }
0x7d: {  	_ =	shalt  }
0x7e: {  	_ =	shalt  }
0x7f: {  	_ =	shalt  }
0x80: {  	_ =	shalt  }
0x81: {  	_ =	shalt  }
0x82: {  	_ =	shalt  }
0x83: {  	_ =	shalt  }
0x84: {  	_ =	shalt  }
0x85: {  	_ =	shalt  }
0x86: {  	_ =	shalt  }
0x87: {  	_ =	shalt  }
.Lfunc_end0:
.L_simem_size_0:
called_computation_lowered:
.L_overlay_start_0:
0x88: {  	s2 =	sld [smem:$0x3FD9]  }
0x89: {  	s3 =	sld [smem:$0x3FFE];
	_ =	sdelay $0x1  }
0x8a: {  	s1 =	srdreg.scid  }
0x8b: {  	s0 =	sand.u32 $0x1, s1  }
0x8c: {  	s17 =	sshll.u32 s0, $0xA;
	s2 =	sadd.s32 s3, s2  }
0x8d: {  	s2 =	sadd.s32 s2, s17  }
0x8e: {  	[smem:$0x3FC6] =	sst s2  }
0x8f: {  	_ = 	snop  }
0x90: {  	s2 =	sld [smem:$0x3FD0];
	(tm) =	ssettm $0x1  }
0x91: {  	s18 =	sld [smem:$0x3FFB];
	_ =	sdelay $0x3  }
0x92: {  	_ =	strace s18  }
0x93: {  	s3 =	sld [smem:$0x3FFC];
	_ =	sdelay $0x3  }
0x94: {  	_ =	strace s3  }
0x95: {  	s3 =	sld [smem:$0x3FFD];
	_ =	sdelay $0x3  }
0x96: {  	_ =	strace s3  }
0x97: {  	_ =	strace $0x8FFFFFFF  }
0x98: {  	s19 =	sld [smem:$0x3FDB];
	_ =	sdelay $0x1  }
0x99: {  	s4 =	simm.s32 $_scs_section_size  }
0x9a: {  	s5 =	simm.s32 $_size__tile_overlayer_lowered;
	s6 =	simm.s32 $_tile_overlayer_lowered  }
0x9b: {  	s22 =	simm.s32 $0x1BFF;
	s21 =	sshll.u32 s6, $0x1;
	s3 =	sadd.s32 s4, s19  }
0x9c: {  	s7 =	simm.s32 $0x0;
	s20 =	sshll.u32 s5, $0x1;
	s5 =	sadd.s32 s21, s3  }
0x9d: {  	[timem:s7], [sflag:s22] =	dma.local [hbm:s5], s20  }
0x9e: {  	_ =	swait.ge [sflag:s22], s20  }
0x9f: {  	s4 =	ssub.s32 $0x0, s20;
	[sflag:s22] =	ssyncset.done $0x0  }
0xa0: {  	[sflag:s22] =	ssyncadd.s32 s4;
	_ =	sdelay $0x1  }
0xa1: {  	s23 =	simm.s32 $0x1B8B  }
0xa2: {  	_ =	swait.ge [sflag:s23], $0x1  }
0xa3: {  	[sflag:s23] =	ssyncset.done $0x0  }
0xa4: {  	s25 =	simm.s32 $0x1B8E;
	s24 =	sld [smem:$0x3FFE];
	[sflag:s23] =	ssyncadd.s32 $0xFFFFFFFF  }
0xa5: {  	s26 =	simm.s32 $execute0_lowered;
	[smem:$0x3FD2] =	sst s25  }
0xa6: {  	s5 =	sshll.u32 s26, $0x1;
	_ =	strace $0x80000046;
	[dreg:$0x1] =	wrdreg $0xFFFFFFFF  }
0xa7: {  	s28 =	simm.s32 $_size_execute0_lowered;
	s3 =	sadd.s32 s3, s5;
	[dreg:$0x0] =	wrdreg $0x0  }
0xa8: {  	s5 =	sshll.u32 s28, $0x1;
	[dreg:$0x2] =	wrdreg s3  }
0xa9: {  	[dreg:$0x3] =	wrdreg s5  }
0xaa: {  	[dreg:$0x4] =	wrdreg $0xC0  }
0xab: {  	_ =	task [dreg:s7], $0x5FFFF  }
0xac: {  	[dreg:$0x1] =	wrdreg $0xFFFFFFFF  }
0xad: {  	[dreg:$0x0] =	wrdreg $0x60  }
0xae: {  	[dreg:$0x2] =	wrdreg s24  }
0xaf: {  	[dreg:$0x3] =	wrdreg s2  }
0xb0: {  	[dreg:$0x4] =	wrdreg $0x9  }
0xb1: {  	_ =	task.clear_ibuf [dreg:s7], $0x5FFFF;
	_ =	strace $0x90000046  }
0xb2: {  	s29 =	simm.s32 $0x9;
	_ =	strace $0x80000048  }
0xb3: {  	_ =	swait.ge [sflag:s29], $0x1  }
0xb4: {  	[sflag:s29] =	ssyncadd.s32 $0xFFFFFFFF  }
0xb5: {  	_ =	strace $0x90000048  }
0xb6: {  	_ =	sfence  }
0xb7: {  	s30 =	sld [smem:$0x0];
	_ =	sdelay $0x2  }
0xb8: {  	s31 =	sshll.u32 s1, $0xD;
	s1 =	sshrl.u32 s1, $0x2  }
0xb9: {  	s3 =	sand.u32 $0x4000, s31;
	s1 =	sadd.s32 s1, s30  }
0xba: {  	s0 =	sor.u32 s3, s0;
	s1 =	sshll.u32 s1, $0x11  }
0xbb: {  	s0 =	sor.u32 s1, s0  }
0xbc: {  	s0 =	sadd.s32 $0x8F2B, s0  }
0xbd: {  	[sflag:s0] =	ssyncadd.remote.s32 $0x1  }
0xbe: {  	_ =	sfence.sel $0xFFFF  }
0xbf: {  	[dreg:$0x0] =	wrdreg $0xFFFFFFFF;
	(pc) =	sbr.abs _section_cstart, $3  }
0xc0: {  	[dreg:$0x1] =	wrdreg $0xFFFFFFFF  }
0xc1: {  	_ =	task.clear_ibuf [dreg:s7], $0x2FFFF;
	_ =	strace $0x9FFFFFFF  }
0xc2: {  	(tm) =	ssettm $0x7FFFFFFF  }
0xc3: {  	_ =	shalt  }
tec
execute0_lowered:
.L_overlay_start_1:
0x0: {  	(tag) =	ssettag $0x1  }
0x1: {  	v0 =	vimm.s32 $0xEDCBA987  }
0x2: {  	v1 =	vimm.s32 $0x65432100;
	v2 =	vimm.s32 $0x1A191817;
	v3 =	vimm.s32 $0x1E1D1C1B  }
0x3: {  	v4 =	vimm.s32 $0x12111010;
	v5 =	vimm.s32 $0x16151413;
	v6 =	vimm.s32 $0x2A292827  }
0x4: {  	v7 =	vimm.s32 $0x2E2D2C2B;
	vm0 =	vcmask $0x1F10;
	v0 =	vunpack.c.l.s4.s8 v0  }
0x5: {  	v8 =	vimm.s32 $0x36353433;
	v1 =	vunpack.c.l.s4.s8 v1;
	v2 =	vunpack.c.0.s8.s32 v2  }
0x6: {  	v3 =	vunpack.c.0.s8.s32 v3;
	v4 =	vunpack.c.0.s8.s32 v4;
	v0 =	vunpack.c.0.s8.s32 v0  }
0x7: {  	v5 =	vunpack.c.0.s8.s32 v5;
	v6 =	vunpack.c.0.s8.s32 v6;
	v1 =	vunpack.c.0.s8.s32 v1  }
0x8: {  	s1 =	srdreg.scid;
	s3 =	rddreg [dreg:$0x0];
	v7 =	vunpack.c.0.s8.s32 v7;
	v8 =	vunpack.c.0.s8.s32 v8;
	v0 =	vand.u32 $0xF, v0  }
0x9: {  	s0 =	stileid.u32;
	s5 =	rddreg [dreg:$0x1];
	v0 =	vcombine.low v1, v0;
	v1 =	vsel vm0, v3, v2;
	v2 =	vsel vm0, v5, v4  }
0xa: {  	s2 =	simm.s32 $0x0;
	s4 =	sand.u32 $0x1, s1;
	s1 =	rddreg [dreg:$0x2];
	v5 =	vsel vm0, v7, v6;
	v3 =	vimm.s32 $0x26252423;
	v4 =	vimm.s32 $0x3A393837  }
0xb: {  	s30 =	sshll.u32 s0, $0x1;
	[smem:$0x7FF] =	sst s2;
	s8 =	smul.u32 $0x3D00, s0;
	v6 =	vimm.s32 $0x3E3D3C3B;
	v7 =	vimm.s32 $0x32313030;
	v1 =	vcombine.low v2, v1  }
0xc: {  	s6 =	sor.u32 s4, s30;
	_ =	strace $0x80000047;
	s10 =	smul.u32 $0x1E80, s4;
	v2 =	vimm.s32 $0x22212020;
	v3 =	vunpack.c.0.s8.s32 v3;
	v4 =	vunpack.c.0.s8.s32 v4  }
0xd: {  	s31 =	ssub.s32 $0x2, s4;
	s7 =	smul.u32 $0x1E80, s6;
	s6 =	sshll.u32 s6, $0xB;
	v6 =	vunpack.c.0.s8.s32 v6;
	v7 =	vunpack.c.0.s8.s32 v7;
	v2 =	vunpack.c.0.s8.s32 v2  }
0xe: {  	vm1 =	vcmask $0x3F3C;
	s9 =	sshrl.u32 s31, $0x1;
	s4 =	sadd.s32 s5, s6;
	s6 =	sadd.s32 s10, s8  }
0xf: {  	s8 =	simm.s32 $0x5F00;
	s10 =	simm.s32 $0x0;
	s7 =	sshrl.u32 s7, $0x3;
	v6 =	vsel vm0, v6, v4;
	v7 =	vsel vm0, v8, v7;
	v9 =	vsel vm0, v3, v2  }
0x10: {  	s3 =	sadd.s32 s7, s3;
	s7 =	ssub.s32 s31, s9;
	s9 =	simm.s32 $0x1E80;
	v2 =	vimm.s32 $0xFFFFFFFF;
	v3 =	vlaneseq.u32;
	vm0 =	vcmask $0x3F04  }
0x11: {  	s3 =	sadd.s32 $0x1000, s3;
	s5 =	smax.u32 s7, $0x1;
	s7 =	simm.s32 $0x1;
	v6 =	vcombine.low v7, v6;
	v4 =	vor.u32 $0x80000000, v3;
	v5 =	vcombine.low v9, v5  }
.LBB2_1:
0x12: {  	[tilespmem:s2], [sflag:$0x1] =	stream.linear.gather [hbm4b:s3+s2], $0x1E80, $0x38;
	[tilespmem:$0x5F80] =	vst v63  }
0x13: {  	_ =	swait.ge [sflag:s7], $0x1E80  }
0x14: {  	[sflag:s7] =	ssyncset.done $0x0  }
0x15: {  	s11 =	simm.s32 $0x0;
	s12 =	simm.s32 $0x200;
	[sflag:s7] =	ssyncadd.s32 $0xFFFFE180  }
.LBB2_2:
0x16: {  	p0 =	sne.s32 s12, $0x10000;
	[tilespmem:s11+$0x1EF0] =	vst v2  }
0x17: {  	[tilespmem:s11+$0x1E80] =	vst v2  }
0x18: {  	[tilespmem:s11+$0x1E90] =	vst v2  }
.Ltmp0:
0x19: {  	[tilespmem:s11+$0x1EA0] =	vst v2;
	(pc) =	sbr.rel @p0 .LBB2_2-.Ltmp0, $4  }
0x1a: {  	[tilespmem:s11+$0x1EB0] =	vst v2  }
0x1b: {  	[tilespmem:s11+$0x1EC0] =	vst v2  }
0x1c: {  	[tilespmem:s11+$0x1ED0] =	vst v2  }
0x1d: {  	[tilespmem:s11+$0x1EE0] =	vst v2;
	s11 =	sshra.s32 s12, $0x2;
	s12 =	sadd.s32 $0x200, s12  }
0x1e: {  	[tilespmem:s11+$0x1EF0] =	vst v2  }
0x1f: {  	[tilespmem:s11+$0x1E80] =	vst v2  }
0x20: {  	[tilespmem:s11+$0x1E90] =	vst v2  }
0x21: {  	[tilespmem:s11+$0x1EA0] =	vst v2  }
0x22: {  	[tilespmem:s11+$0x1EB0] =	vst v2  }
0x23: {  	[tilespmem:s11+$0x1EC0] =	vst v2  }
0x24: {  	[tilespmem:s11+$0x1ED0] =	vst v2  }
0x25: {  	[tilespmem:s11+$0x1EE0] =	vst v2;
	s11 =	simm.s32 $0x0;
	s12 =	simm.s32 $0x20  }
.LBB2_4:
0x26: {  	v7 =	vld [tilespmem:s12+$0xFFFFFFE0];
	_ =	sdelay $0x4  }
0x27: {  	s13 =	sadd.s32 s11, s6;
	v7 =	vshll.u32 v7, $0x4  }
0x28: {  	v8 =	vor.u32 s13, v3;
	v7 =	vxor.u32 v4, v7  }
0x29: {  	(xrf1) =	vsort.ascd.msk.u32 $0xffff, v7, v8;
	_ =	sdelay $0xd  }
0x2a: {  	v7, v8, _ =	vpop (xrf1)  }
0x2b: {  	v7 =	vshrl.u32 v7, $0x4  }
0x2c: {  	v9 =	vxor.u32 $0x8000000, v7  }
0x2d: {  	[tilespmem:v0+s8+$0x0] =	vst.idx.msk vm0, v9  }
0x2e: {  	v10 =	vld [tilespmem:$0x5F00];
	_ =	sdelay $0x4  }
0x2f: {  	vm2 =	vne.s32 v9, v10  }
0x30: {  	v7 =	vand.u32 $0x7F, v7;
	v9 =	vand.u32 $0xFFFFF80, v9;
	vm2 =	vmor vm2, vm1  }
0x31: {  	v7 =	vor.u32 v7, v9;
	_ =	sdelay $0x4  }
0x32: {  	[tilespmem:v7+s9+$0x0] =	vst.idx.msk vm2, v8  }
0x33: {  	v7 =	vld [tilespmem:s12+$0xFFFFFFF0];
	_ =	sdelay $0x4  }
0x34: {  	s14 =	sadd.s32 $0x10, s13;
	v7 =	vshll.u32 v7, $0x4  }
0x35: {  	v8 =	vor.u32 s14, v3;
	v7 =	vxor.u32 v4, v7  }
0x36: {  	(xrf1) =	vsort.ascd.msk.u32 $0xffff, v7, v8;
	_ =	sdelay $0xd  }
0x37: {  	v7, v8, _ =	vpop (xrf1)  }
0x38: {  	v7 =	vshrl.u32 v7, $0x4  }
0x39: {  	v58 =	vxor.u32 $0x8000000, v7  }
0x3a: {  	[tilespmem:v1+s8+$0x0] =	vst.idx.msk vm0, v58  }
0x3b: {  	v59 =	vld [tilespmem:$0x5F10];
	_ =	sdelay $0x4  }
0x3c: {  	vm2 =	vne.s32 v58, v59  }
0x3d: {  	v7 =	vand.u32 $0x7F, v7;
	v9 =	vand.u32 $0xFFFFF80, v58;
	vm2 =	vmor vm2, vm1  }
0x3e: {  	v7 =	vor.u32 v7, v9;
	_ =	sdelay $0x4  }
0x3f: {  	[tilespmem:v7+s9+$0x0] =	vst.idx.msk vm2, v8  }
0x40: {  	v7 =	vld [tilespmem:s12+$0x0];
	_ =	sdelay $0x4  }
0x41: {  	s31 =	sadd.s32 $0x20, s13;
	v7 =	vshll.u32 v7, $0x4  }
0x42: {  	v8 =	vor.u32 s31, v3;
	v7 =	vxor.u32 v4, v7  }
0x43: {  	(xrf1) =	vsort.ascd.msk.u32 $0xffff, v7, v8;
	_ =	sdelay $0xd  }
0x44: {  	v7, v8, _ =	vpop (xrf1)  }
0x45: {  	v7 =	vshrl.u32 v7, $0x4  }
0x46: {  	v60 =	vxor.u32 $0x8000000, v7  }
0x47: {  	[tilespmem:v5+s8+$0x0] =	vst.idx.msk vm0, v60  }
0x48: {  	v61 =	vld [tilespmem:$0x5F20];
	_ =	sdelay $0x4  }
0x49: {  	vm2 =	vne.s32 v60, v61  }
0x4a: {  	v7 =	vand.u32 $0x7F, v7;
	v9 =	vand.u32 $0xFFFFF80, v60;
	vm2 =	vmor vm2, vm1  }
0x4b: {  	v7 =	vor.u32 v7, v9;
	_ =	sdelay $0x4  }
0x4c: {  	[tilespmem:v7+s9+$0x0] =	vst.idx.msk vm2, v8  }
0x4d: {  	v7 =	vld [tilespmem:s12+$0x10];
	_ =	sdelay $0x4  }
0x4e: {  	s13 =	sadd.s32 $0x30, s13;
	v7 =	vshll.u32 v7, $0x4  }
0x4f: {  	v8 =	vor.u32 s13, v3;
	v7 =	vxor.u32 v4, v7  }
0x50: {  	(xrf1) =	vsort.ascd.msk.u32 $0xffff, v7, v8;
	_ =	sdelay $0xd  }
0x51: {  	v7, v8, _ =	vpop (xrf1)  }
0x52: {  	v7 =	vshrl.u32 v7, $0x4  }
0x53: {  	v62 =	vxor.u32 $0x8000000, v7  }
0x54: {  	[tilespmem:v6+s8+$0x0] =	vst.idx.msk vm0, v62  }
0x55: {  	v63 =	vld [tilespmem:$0x5F30];
	_ =	sdelay $0x4  }
0x56: {  	vm2 =	vne.s32 v62, v63  }
0x57: {  	v7 =	vand.u32 $0x7F, v7;
	v9 =	vand.u32 $0xFFFFF80, v62;
	vm2 =	vmor vm2, vm1  }
0x58: {  	p0 =	sne.s32 s11, $0x1E40;
	v7 =	vor.u32 v7, v9  }
.Ltmp1:
0x59: {  	_ = 	snop;
	(pc) =	sbr.rel @p0 .LBB2_4-.Ltmp1, $2  }
0x5a: {  	_ =	sdelay $0x2  }
0x5b: {  	s11 =	sadd.s32 $0x40, s11;
	s12 =	sadd.s32 $0x40, s12;
	[tilespmem:v7+s9+$0x0] =	vst.idx.msk vm2, v8  }
0x5c: {  	s10 =	sadd.s32 $0x1, s10  }
0x5d: {  	p0 =	sne.s32 s10, s5  }
.Ltmp2:
0x5e: {  	_ = 	snop;
	(pc) =	sbr.rel @p0 .LBB2_1-.Ltmp2, $4  }
0x5f: {  	[hbm4b:s4+s2] =	stream.linear.scatter [tilespmem:s9], [sflag:$0x1], $0x4000, $0x38;
	[tilespmem:$0x5F80] =	vst v63  }
0x60: {  	_ =	swait.ge [sflag:s7], $0x4000  }
0x61: {  	[sflag:s7] =	ssyncset.done $0x0  }
0x62: {  	[sflag:s7] =	ssyncadd.s32 $0xFFFFC000  }
0x63: {  	_ =	sfence.sel $0x180000  }
0x64: {  	[bflag:$0x0] =	sbarrier.arrive $0xFFFF  }
0x65: {  	p0 =	sne.s32 s0, $0x0;
	_ =	strace $0x90000047  }
0x66: {  	s0 =	sadd.s32 @!p0 $0x100000, s1;
	[bflag:$0x2] =	sbarrier.arrive $0xFFFF  }
0x67: {  	[sflag:s0] =	ssyncadd.tile.s32 @!p0 $0x1;
	_ =	shalt  }
.Lfunc_end2:
_tile_overlayer_lowered:
.L_overlay_start_2:
0x68: {  	(tag) =	ssettag $0x2  }
0x69: {  	s0 =	rddreg [dreg:$0x0];
	s2 =	stileid.u32  }
0x6a: {  	s1 =	rddreg [dreg:$0x1];
	p0 =	sne.s32 s2, $0x0  }
0x6b: {  	s3 =	rddreg [dreg:$0x2];
	[bflag:$0x3] =	sbarrier.arrive $0xFFFF;
	s2 =	simm.s32 @!p0 $0x1C01  }
0x6c: {  	[timem:s3], [sflag:s2] =	dma.local @!p0 [hbm:s0], s1  }
0x6d: {  	s0 =	simm.s32 @!p0 $0x1  }
0x6e: {  	_ =	swait.ge @!p0 [sflag:s0], s1  }
0x6f: {  	s1 =	ssub.s32 @!p0 $0x0, s1;
	[sflag:s0] =	ssyncset.done @!p0 $0x0  }
0x70: {  	[sflag:s0] =	ssyncadd.s32 @!p0 s1  }
0x71: {  	[bflag:$0x3] =	sbarrier.arrive $0xFFFF  }
0x72: {  	_ =	shalt  }

// kernel: kernel.8.cloned.1.call-start
scs
__scs_entry_jumppad:
0x0: {  	(pc) =	sbr.rel $0x88, $3  }
0x1: {  	(tag) =	ssettag $0x0;
	lr =	simm.s32 $0x1  }
0x2: {  	[smem:$0x3F9F] =	sst lr;
	_ =	strace $0xD0000000  }
0x3: {  	_ = 	snop  }
0x4: {  	_ = 	snop  }
0x5: {  	_ = 	snop  }
0x6: {  	_ = 	snop  }
0x7: {  	_ = 	snop  }
__scs_overlays_trampoline_lowered:
0x8: {  	[smem:$0x3FAE] =	sst s0  }
0x9: {  	[smem:$0x3FAF] =	sst s1  }
0xa: {  	[smem:$0x3FB0] =	sst s2  }
0xb: {  	[smem:$0x3FB1] =	sst s3  }
0xc: {  	[smem:$0x3FB2] =	sst s4  }
0xd: {  	[smem:$0x3FB3] =	sst s5  }
0xe: {  	[smem:$0x3FB4] =	sst s6  }
0xf: {  	[smem:$0x3FB5] =	sst s7  }
0x10: {  	[smem:$0x3FB6] =	sst s8  }
0x11: {  	[smem:$0x3FB7] =	sst s9;
	s0 =	simm.s32 @!p0 $0x0  }
0x12: {  	s1 =	sld [smem:$0x3F9D];
	s0 =	simm.s32 @p0 $0x1  }
0x13: {  	[smem:$0x3FB8] =	sst s0;
	s0 =	simm.s32 @!p1 $0x0  }
0x14: {  	s2 =	sld [smem:$0x3F9C];
	s0 =	simm.s32 @p1 $0x1  }
0x15: {  	[smem:$0x3FB9] =	sst s0;
	s0 =	simm.s32 @!p2 $0x0  }
0x16: {  	s3 =	sld [smem:$0x3FDB];
	s0 =	simm.s32 @p2 $0x1  }
0x17: {  	s4 =	simm.s32 $0x1BF5;
	[smem:$0x3FBB] =	sst s0  }
0x18: {  	s0 =	sld [smem:$0x3F9E];
	_ =	swait.ge [sflag:s4], $0x0  }
0x19: {  	s7 =	sld [smem:$0x3F9F]  }
0x1a: {  	s8 =	sadd.s32 $0xFFFFE003, lr  }
0x1b: {  	s9 =	sadd.s32 $0xFFFFFEF7, lr;
	s5 =	simm.s32 $0xFFFFFFFF;
	p2 =	slt.u32 s8, $0xFFFFF086  }
0x1c: {  	p1 =	slt.u32 s9, $0xF7A;
	s5 =	simm.s32 @!p2 $0x0  }
0x1d: {  	s5 =	simm.s32 @p1 $0x1;
	p0 =	seq.s32 s7, s2  }
0x1e: {  	s7 =	smul.u32 @!p0 $0xF7A, s2;
	p2 =	seq.s32 @!p0 s5, $0x0  }
0x1f: {  	s9 =	smul.u32 $0xF7A, s1;
	s8 =	simm.s32 @!p0 $0x1BF5;
	p2 =	por !p2, p0  }
0x20: {  	[sflag:s8] =	ssyncset.s32 @!p0 $0xFFFFF086;
	s6 =	sadd.s32 @!p0 s3, s7;
	s7 =	simm.s32 @!p0 $0x108  }
0x21: {  	s3 =	sadd.s32 s3, s9;
	s6 =	sadd.s32 @!p0 $0x88, s6;
	s7 =	simm.s32 @p2 $0x1082  }
0x22: {  	[simem:s7], [sflag:s8] =	dma.local @!p0 [hbm:s6], $0xF7A  }
0x23: {  	s9 =	sor.u32 $0xD0000000, s2;
	s6 =	simm.s32 $0x108;
	_ =	swait.ge @!p0 [sflag:s8], $0x0  }
0x24: {  	s3 =	sadd.s32 $0x88, s3;
	s6 =	simm.s32 @!p1 $0x1082;
	[sflag:s4] =	ssyncset.s32 $0xFFFFF086  }
0x25: {  	[simem:s6], [sflag:s4] =	dma.local [hbm:s3], $0xF7A  }
0x26: {  	[smem:$0x3F9F] =	sst s1;
	(tag) =	ssettag s2;
	_ =	strace s9  }
0x27: {  	s1 =	sld [smem:$0x3FAF]  }
0x28: {  	s2 =	sld [smem:$0x3FB0]  }
0x29: {  	s4 =	sld [smem:$0x3FB2]  }
0x2a: {  	p0 =	seq.s32 s5, $0x0;
	s5 =	sld [smem:$0x3FB3]  }
0x2b: {  	s6 =	sld [smem:$0x3FB4]  }
0x2c: {  	s7 =	sld [smem:$0x3FB5]  }
0x2d: {  	s3 =	simm.s32 $0x108;
	s8 =	sld [smem:$0x3FB6]  }
0x2e: {  	s3 =	simm.s32 @!p0 $0x1082;
	s9 =	sld [smem:$0x3FB7]  }
0x2f: {  	lr =	sadd.s32 s0, s3;
	s0 =	sld [smem:$0x3FAE]  }
0x30: {  	s3 =	sld [smem:$0x3FB1]  }
0x31: {  	[smem:$0x3FBA] =	sst s10  }
0x32: {  	s10 =	sld [smem:$0x3FB8];
	_ =	sdelay $0x3  }
0x33: {  	p0 =	seq.s32 s10, $0x1;
	s10 =	sld [smem:$0x3FBA];
	_ =	sdelay $0x3  }
0x34: {  	[smem:$0x3FBA] =	sst s10  }
0x35: {  	s10 =	sld [smem:$0x3FB9];
	_ =	sdelay $0x3  }
0x36: {  	p1 =	seq.s32 s10, $0x1;
	s10 =	sld [smem:$0x3FBA];
	_ =	sdelay $0x3  }
0x37: {  	[smem:$0x3FBA] =	sst s10  }
0x38: {  	s10 =	sld [smem:$0x3FBB]  }
0x39: {  	_ = 	snop;
	(pc) =	sbr.ind lr, $3  }
0x3a: {  	_ = 	snop  }
0x3b: {  	_ = 	snop  }
0x3c: {  	p2 =	seq.s32 s10, $0x1;
	s10 =	sld [smem:$0x3FBA]  }
0x3d: {  	_ =	shalt  }
0x3e: {  	_ =	shalt  }
0x3f: {  	_ =	shalt  }
0x40: {  	_ =	shalt  }
0x41: {  	_ =	shalt  }
0x42: {  	_ =	shalt  }
0x43: {  	_ =	shalt  }
0x44: {  	_ =	shalt  }
0x45: {  	_ =	shalt  }
0x46: {  	_ =	shalt  }
0x47: {  	_ =	shalt  }
0x48: {  	_ =	shalt  }
0x49: {  	_ =	shalt  }
0x4a: {  	_ =	shalt  }
0x4b: {  	_ =	shalt  }
0x4c: {  	_ =	shalt  }
0x4d: {  	_ =	shalt  }
0x4e: {  	_ =	shalt  }
0x4f: {  	_ =	shalt  }
0x50: {  	_ =	shalt  }
0x51: {  	_ =	shalt  }
0x52: {  	_ =	shalt  }
0x53: {  	_ =	shalt  }
0x54: {  	_ =	shalt  }
0x55: {  	_ =	shalt  }
0x56: {  	_ =	shalt  }
0x57: {  	_ =	shalt  }
0x58: {  	_ =	shalt  }
0x59: {  	_ =	shalt  }
0x5a: {  	_ =	shalt  }
0x5b: {  	_ =	shalt  }
0x5c: {  	_ =	shalt  }
0x5d: {  	_ =	shalt  }
0x5e: {  	_ =	shalt  }
0x5f: {  	_ =	shalt  }
0x60: {  	_ =	shalt  }
0x61: {  	_ =	shalt  }
0x62: {  	_ =	shalt  }
0x63: {  	_ =	shalt  }
0x64: {  	_ =	shalt  }
0x65: {  	_ =	shalt  }
0x66: {  	_ =	shalt  }
0x67: {  	_ =	shalt  }
0x68: {  	_ =	shalt  }
0x69: {  	_ =	shalt  }
0x6a: {  	_ =	shalt  }
0x6b: {  	_ =	shalt  }
0x6c: {  	_ =	shalt  }
0x6d: {  	_ =	shalt  }
0x6e: {  	_ =	shalt  }
0x6f: {  	_ =	shalt  }
0x70: {  	_ =	shalt  }
0x71: {  	_ =	shalt  }
0x72: {  	_ =	shalt  }
0x73: {  	_ =	shalt  }
0x74: {  	_ =	shalt  }
0x75: {  	_ =	shalt  }
0x76: {  	_ =	shalt  }
0x77: {  	_ =	shalt  }
0x78: {  	_ =	shalt  }
0x79: {  	_ =	shalt  }
0x7a: {  	_ =	shalt  }
0x7b: {  	_ =	shalt  }
0x7c: {  	_ =	shalt  }
0x7d: {  	_ =	shalt  }
0x7e: {  	_ =	shalt  }
0x7f: {  	_ =	shalt  }
0x80: {  	_ =	shalt  }
0x81: {  	_ =	shalt  }
0x82: {  	_ =	shalt  }
0x83: {  	_ =	shalt  }
0x84: {  	_ =	shalt  }
0x85: {  	_ =	shalt  }
0x86: {  	_ =	shalt  }
0x87: {  	_ =	shalt  }
.Lfunc_end0:
.L_simem_size_0:
called_computation.1_lowered:
.L_overlay_start_0:
0x88: {  	s2 =	sld [smem:$0x3FD9]  }
0x89: {  	s3 =	sld [smem:$0x3FFE];
	_ =	sdelay $0x1  }
0x8a: {  	s1 =	srdreg.scid  }
0x8b: {  	s0 =	sand.u32 $0x1, s1  }
0x8c: {  	s17 =	sshll.u32 s0, $0xA;
	s2 =	sadd.s32 s3, s2  }
0x8d: {  	s2 =	sadd.s32 s2, s17  }
0x8e: {  	[smem:$0x3FC6] =	sst s2  }
0x8f: {  	_ = 	snop  }
0x90: {  	s2 =	sld [smem:$0x3FD0];
	(tm) =	ssettm $0x1  }
0x91: {  	s18 =	sld [smem:$0x3FFB];
	_ =	sdelay $0x3  }
0x92: {  	_ =	strace s18  }
0x93: {  	s3 =	sld [smem:$0x3FFC];
	_ =	sdelay $0x3  }
0x94: {  	_ =	strace s3  }
0x95: {  	s3 =	sld [smem:$0x3FFD];
	_ =	sdelay $0x3  }
0x96: {  	_ =	strace s3  }
0x97: {  	_ =	strace $0x8FFFFFFF  }
0x98: {  	s19 =	sld [smem:$0x3FDB];
	_ =	sdelay $0x1  }
0x99: {  	s4 =	simm.s32 $_scs_section_size  }
0x9a: {  	s5 =	simm.s32 $_size__tile_overlayer_lowered;
	s6 =	simm.s32 $_tile_overlayer_lowered  }
0x9b: {  	s22 =	simm.s32 $0x1BFF;
	s21 =	sshll.u32 s6, $0x1;
	s3 =	sadd.s32 s4, s19  }
0x9c: {  	s7 =	simm.s32 $0x0;
	s20 =	sshll.u32 s5, $0x1;
	s5 =	sadd.s32 s21, s3  }
0x9d: {  	[timem:s7], [sflag:s22] =	dma.local [hbm:s5], s20  }
0x9e: {  	_ =	swait.ge [sflag:s22], s20  }
0x9f: {  	s4 =	ssub.s32 $0x0, s20;
	[sflag:s22] =	ssyncset.done $0x0  }
0xa0: {  	[sflag:s22] =	ssyncadd.s32 s4;
	_ =	sdelay $0x1  }
0xa1: {  	s23 =	simm.s32 $0x1B8B  }
0xa2: {  	_ =	swait.ge [sflag:s23], $0x1  }
0xa3: {  	[sflag:s23] =	ssyncset.done $0x0  }
0xa4: {  	s25 =	simm.s32 $0x1B8E;
	s24 =	sld [smem:$0x3FFE];
	[sflag:s23] =	ssyncadd.s32 $0xFFFFFFFF  }
0xa5: {  	s26 =	simm.s32 $execute0_lowered;
	[smem:$0x3FD2] =	sst s25  }
0xa6: {  	s5 =	sshll.u32 s26, $0x1;
	_ =	strace $0x80000049;
	[dreg:$0x1] =	wrdreg $0xFFFFFFFF  }
0xa7: {  	s28 =	simm.s32 $_size_execute0_lowered;
	s3 =	sadd.s32 s3, s5;
	[dreg:$0x0] =	wrdreg $0x0  }
0xa8: {  	s5 =	sshll.u32 s28, $0x1;
	[dreg:$0x2] =	wrdreg s3  }
0xa9: {  	[dreg:$0x3] =	wrdreg s5  }
0xaa: {  	[dreg:$0x4] =	wrdreg $0xC0  }
0xab: {  	_ =	task [dreg:s7], $0x5FFFF  }
0xac: {  	[dreg:$0x1] =	wrdreg $0xFFFFFFFF  }
0xad: {  	[dreg:$0x0] =	wrdreg $0x60  }
0xae: {  	[dreg:$0x2] =	wrdreg s2  }
0xaf: {  	[dreg:$0x3] =	wrdreg s24  }
0xb0: {  	[dreg:$0x4] =	wrdreg $0x9  }
0xb1: {  	_ =	task.clear_ibuf [dreg:s7], $0x5FFFF;
	_ =	strace $0x90000049  }
0xb2: {  	s29 =	simm.s32 $0x9;
	_ =	strace $0x8000004B  }
0xb3: {  	_ =	swait.ge [sflag:s29], $0x1  }
0xb4: {  	[sflag:s29] =	ssyncadd.s32 $0xFFFFFFFF  }
0xb5: {  	_ =	strace $0x9000004B  }
0xb6: {  	_ =	sfence  }
0xb7: {  	s30 =	sld [smem:$0x0];
	_ =	sdelay $0x2  }
0xb8: {  	s31 =	sshll.u32 s1, $0xD;
	s1 =	sshrl.u32 s1, $0x2  }
0xb9: {  	s3 =	sand.u32 $0x4000, s31;
	s1 =	sadd.s32 s1, s30  }
0xba: {  	s0 =	sor.u32 s3, s0;
	s1 =	sshll.u32 s1, $0x11  }
0xbb: {  	s0 =	sor.u32 s1, s0  }
0xbc: {  	s0 =	sadd.s32 $0x8F2B, s0  }
0xbd: {  	[sflag:s0] =	ssyncadd.remote.s32 $0x1  }
0xbe: {  	_ =	sfence.sel $0xFFFF  }
0xbf: {  	[dreg:$0x0] =	wrdreg $0xFFFFFFFF;
	(pc) =	sbr.abs _section_cstart, $3  }
0xc0: {  	[dreg:$0x1] =	wrdreg $0xFFFFFFFF  }
0xc1: {  	_ =	task.clear_ibuf [dreg:s7], $0x2FFFF;
	_ =	strace $0x9FFFFFFF  }
0xc2: {  	(tm) =	ssettm $0x7FFFFFFF  }
0xc3: {  	_ =	shalt  }
tec
execute0_lowered:
.L_overlay_start_1:
0x0: {  	(tag) =	ssettag $0x1  }
0x1: {  	s0 =	rddreg [dreg:$0x0];
	s2 =	srdreg.scid  }
0x2: {  	s1 =	rddreg [dreg:$0x1];
	s3 =	stileid.u32;
	s4 =	sand.u32 $0x1, s2  }
0x3: {  	s2 =	simm.s32 $0x0;
	s3 =	sshll.u32 s3, $0xA;
	s5 =	sshll.u32 s4, $0x9  }
0x4: {  	[smem:$0x7FF] =	sst s2;
	s7 =	ssub.s32 $0x2, s4;
	s5 =	sor.u32 s5, s3  }
0x5: {  	_ =	strace $0x8000004A;
	s3 =	sadd.s32 $0x8A00, s1;
	s8 =	sshrl.u32 s7, $0x1  }
0x6: {  	s6 =	sshll.u32 s5, $0x4;
	s5 =	sshrl.u32 s5, $0x3;
	s26 =	ssub.s32 s7, s8  }
0x7: {  	s6 =	sadd.s32 s6, s1;
	s4 =	sadd.s32 s0, s5;
	s0 =	smax.u32 s26, $0x1  }
0x8: {  	s1 =	sadd.s32 s5, s1;
	s5 =	sadd.s32 $0x800, s4;
	[dreg:$0x17] =	wrdreg s0  }
0x9: {  	s28 =	sadd.s32 $0x1000, s4;
	[dreg:$0x3] =	wrdreg s5  }
0xa: {  	s29 =	sadd.s32 $0x1800, s4;
	[dreg:$0x4] =	wrdreg s28  }
0xb: {  	s30 =	sadd.s32 $0x2000, s4;
	[dreg:$0x5] =	wrdreg s29  }
0xc: {  	s31 =	sadd.s32 $0x2800, s4;
	[dreg:$0x6] =	wrdreg s30  }
0xd: {  	s7 =	sadd.s32 $0x3000, s4;
	[dreg:$0x7] =	wrdreg s31  }
0xe: {  	s8 =	sadd.s32 $0x3800, s4;
	[dreg:$0x8] =	wrdreg s7  }
0xf: {  	s9 =	sadd.s32 $0x4000, s4;
	[dreg:$0x9] =	wrdreg s8  }
0x10: {  	s10 =	sadd.s32 $0x4800, s4;
	[dreg:$0xa] =	wrdreg s9  }
0x11: {  	s11 =	sadd.s32 $0x5000, s4;
	[dreg:$0xb] =	wrdreg s10  }
0x12: {  	s12 =	sadd.s32 $0x5800, s4;
	[dreg:$0xc] =	wrdreg s11  }
0x13: {  	s13 =	sadd.s32 $0x6000, s4;
	[dreg:$0xd] =	wrdreg s12  }
0x14: {  	s14 =	sadd.s32 $0x6800, s4;
	[dreg:$0xe] =	wrdreg s13  }
0x15: {  	s15 =	sadd.s32 $0x7000, s4;
	[dreg:$0xf] =	wrdreg s14  }
0x16: {  	s16 =	sadd.s32 $0x7800, s4;
	[dreg:$0x10] =	wrdreg s15  }
0x17: {  	s17 =	sadd.s32 $0x8000, s4;
	[dreg:$0x11] =	wrdreg s16  }
0x18: {  	s18 =	sadd.s32 $0x8800, s4;
	[dreg:$0x12] =	wrdreg s17  }
0x19: {  	s19 =	sadd.s32 $0x9000, s4;
	[dreg:$0x13] =	wrdreg s18  }
0x1a: {  	s20 =	sadd.s32 $0x3D6200, s6;
	[dreg:$0x14] =	wrdreg s19  }
0x1b: {  	s1 =	sadd.s32 $0x1000, s1;
	[dreg:$0x15] =	wrdreg s20  }
0x1c: {  	s21 =	sadd.s32 $0x9800, s4;
	[dreg:$0x16] =	wrdreg s1  }
0x1d: {  	s22 =	sadd.s32 $0xA000, s4;
	[dreg:$0x18] =	wrdreg s21  }
0x1e: {  	s23 =	sadd.s32 $0xA800, s4;
	[dreg:$0x19] =	wrdreg s22  }
0x1f: {  	s24 =	sadd.s32 $0xB000, s4;
	[dreg:$0x1a] =	wrdreg s23  }
0x20: {  	s25 =	sadd.s32 $0xB800, s4;
	[dreg:$0x1b] =	wrdreg s24  }
0x21: {  	s26 =	sadd.s32 $0xC000, s4;
	[dreg:$0x1c] =	wrdreg s25  }
0x22: {  	[dreg:$0x1d] =	wrdreg s26;
	s28 =	sadd.s32 $0xC800, s4  }
0x23: {  	s29 =	sadd.s32 $0xD000, s4;
	s30 =	sadd.s32 $0xD800, s4;
	s31 =	sadd.s32 $0xE000, s4  }
0x24: {  	s8 =	sadd.s32 $0xE800, s4;
	s9 =	sadd.s32 $0xF000, s4;
	[dreg:$0x1e] =	wrdreg s28  }
0x25: {  	s10 =	sadd.s32 $0xF800, s4;
	s11 =	simm.s32 $0x1;
	[dreg:$0x1f] =	wrdreg s29  }
0x26: {  	s12 =	simm.s32 $0x2;
	s13 =	simm.s32 $0x3;
	[smem:$0x7FC] =	sst s30  }
0x27: {  	s14 =	simm.s32 $0x4000;
	s15 =	simm.s32 $0x0;
	[smem:$0x7FD] =	sst s31  }
.LBB2_1:
0x28: {  	[tilespmem:s2], [sflag:$0x1] =	stream.linear.gather [hbm4b:s4+s2], $0x200, $0x38;
	[tilespmem:$0x14200] =	vst v63  }
0x29: {  	s0 =	rddreg [dreg:$0x3]  }
0x2a: {  	s1 =	simm.s32 $0x200;
	s30 =	rddreg [dreg:$0x4]  }
0x2b: {  	[tilespmem:s1], [sflag:$0x1] =	stream.linear.gather [hbm4b:s0+s2], $0x200, $0x38;
	[tilespmem:$0x14200] =	vst v63  }
0x2c: {  	s31 =	simm.s32 $0x400;
	s5 =	rddreg [dreg:$0x5]  }
0x2d: {  	[tilespmem:s31], [sflag:$0x1] =	stream.linear.gather [hbm4b:s30+s2], $0x200, $0x38;
	[tilespmem:$0x14200] =	vst v63  }
0x2e: {  	s6 =	simm.s32 $0x600;
	s7 =	rddreg [dreg:$0x6]  }
0x2f: {  	[tilespmem:s6], [sflag:$0x1] =	stream.linear.gather [hbm4b:s5+s2], $0x200, $0x38;
	[tilespmem:$0x14200] =	vst v63  }
0x30: {  	s16 =	simm.s32 $0x800;
	s17 =	rddreg [dreg:$0x7]  }
0x31: {  	[tilespmem:s16], [sflag:$0x1] =	stream.linear.gather [hbm4b:s7+s2], $0x200, $0x38;
	[tilespmem:$0x14200] =	vst v63  }
0x32: {  	s18 =	simm.s32 $0xA00;
	s19 =	rddreg [dreg:$0x8]  }
0x33: {  	[tilespmem:s18], [sflag:$0x1] =	stream.linear.gather [hbm4b:s17+s2], $0x200, $0x38;
	[tilespmem:$0x14200] =	vst v63  }
0x34: {  	s20 =	simm.s32 $0xC00;
	s21 =	rddreg [dreg:$0x9]  }
0x35: {  	[tilespmem:s20], [sflag:$0x1] =	stream.linear.gather [hbm4b:s19+s2], $0x200, $0x38;
	[tilespmem:$0x14200] =	vst v63  }
0x36: {  	s22 =	simm.s32 $0xE00;
	s23 =	rddreg [dreg:$0xa]  }
0x37: {  	[tilespmem:s22], [sflag:$0x1] =	stream.linear.gather [hbm4b:s21+s2], $0x200, $0x38;
	[tilespmem:$0x14200] =	vst v63  }
0x38: {  	s24 =	simm.s32 $0x1000;
	s25 =	rddreg [dreg:$0xb]  }
0x39: {  	[tilespmem:s24], [sflag:$0x1] =	stream.linear.gather [hbm4b:s23+s2], $0x200, $0x38;
	[tilespmem:$0x14200] =	vst v63  }
0x3a: {  	s26 =	simm.s32 $0x1200;
	s28 =	rddreg [dreg:$0xc]  }
0x3b: {  	[tilespmem:s26], [sflag:$0x1] =	stream.linear.gather [hbm4b:s25+s2], $0x200, $0x38;
	[tilespmem:$0x14200] =	vst v63  }
0x3c: {  	s29 =	simm.s32 $0x1400;
	s1 =	rddreg [dreg:$0x1a]  }
0x3d: {  	[tilespmem:s29], [sflag:$0x1] =	stream.linear.gather [hbm4b:s28+s2], $0x200, $0x38;
	[tilespmem:$0x14200] =	vst v63  }
0x3e: {  	s30 =	rddreg [dreg:$0xd];
	s31 =	simm.s32 $0x1600  }
0x3f: {  	[tilespmem:s31], [sflag:$0x1] =	stream.linear.gather [hbm4b:s30+s2], $0x200, $0x38;
	[tilespmem:$0x14200] =	vst v63  }
0x40: {  	s5 =	rddreg [dreg:$0xe];
	s6 =	simm.s32 $0x1800  }
0x41: {  	[tilespmem:s6], [sflag:$0x1] =	stream.linear.gather [hbm4b:s5+s2], $0x200, $0x38;
	[tilespmem:$0x14200] =	vst v63  }
0x42: {  	s7 =	rddreg [dreg:$0xf];
	s16 =	simm.s32 $0x1A00  }
0x43: {  	[tilespmem:s16], [sflag:$0x1] =	stream.linear.gather [hbm4b:s7+s2], $0x200, $0x38;
	[tilespmem:$0x14200] =	vst v63  }
0x44: {  	s17 =	rddreg [dreg:$0x10];
	s18 =	simm.s32 $0x1C00  }
0x45: {  	[tilespmem:s18], [sflag:$0x1] =	stream.linear.gather [hbm4b:s17+s2], $0x200, $0x38;
	[tilespmem:$0x14200] =	vst v63  }
0x46: {  	s19 =	rddreg [dreg:$0x11];
	s20 =	simm.s32 $0x1E00  }
0x47: {  	[tilespmem:s20], [sflag:$0x1] =	stream.linear.gather [hbm4b:s19+s2], $0x200, $0x38;
	[tilespmem:$0x14200] =	vst v63  }
0x48: {  	s21 =	rddreg [dreg:$0x12];
	s22 =	simm.s32 $0x2000  }
0x49: {  	[tilespmem:s22], [sflag:$0x1] =	stream.linear.gather [hbm4b:s21+s2], $0x200, $0x38;
	[tilespmem:$0x14200] =	vst v63  }
0x4a: {  	s23 =	rddreg [dreg:$0x13];
	s24 =	simm.s32 $0x2200  }
0x4b: {  	[tilespmem:s24], [sflag:$0x1] =	stream.linear.gather [hbm4b:s23+s2], $0x200, $0x38;
	[tilespmem:$0x14200] =	vst v63  }
0x4c: {  	s25 =	rddreg [dreg:$0x14];
	s26 =	simm.s32 $0x2400  }
0x4d: {  	[tilespmem:s26], [sflag:$0x1] =	stream.linear.gather [hbm4b:s25+s2], $0x200, $0x38;
	[tilespmem:$0x14200] =	vst v63  }
0x4e: {  	s28 =	rddreg [dreg:$0x18];
	s29 =	simm.s32 $0x2600  }
0x4f: {  	[tilespmem:s29], [sflag:$0x1] =	stream.linear.gather [hbm4b:s28+s2], $0x200, $0x38;
	[tilespmem:$0x14200] =	vst v63  }
0x50: {  	s30 =	rddreg [dreg:$0x19];
	s31 =	simm.s32 $0x2800  }
0x51: {  	[tilespmem:s31], [sflag:$0x1] =	stream.linear.gather [hbm4b:s30+s2], $0x200, $0x38;
	[tilespmem:$0x14200] =	vst v63  }
0x52: {  	s5 =	simm.s32 $0x2A00;
	s6 =	rddreg [dreg:$0x1b]  }
0x53: {  	[tilespmem:s5], [sflag:$0x1] =	stream.linear.gather [hbm4b:s1+s2], $0x200, $0x38;
	[tilespmem:$0x14200] =	vst v63  }
0x54: {  	s7 =	simm.s32 $0x2C00;
	s16 =	rddreg [dreg:$0x1c]  }
0x55: {  	[tilespmem:s7], [sflag:$0x1] =	stream.linear.gather [hbm4b:s6+s2], $0x200, $0x38;
	[tilespmem:$0x14200] =	vst v63  }
0x56: {  	s17 =	simm.s32 $0x2E00;
	s18 =	rddreg [dreg:$0x1d]  }
0x57: {  	[tilespmem:s17], [sflag:$0x1] =	stream.linear.gather [hbm4b:s16+s2], $0x200, $0x38;
	[tilespmem:$0x14200] =	vst v63  }
0x58: {  	s19 =	simm.s32 $0x3000;
	s20 =	rddreg [dreg:$0x1e]  }
0x59: {  	[tilespmem:s19], [sflag:$0x1] =	stream.linear.gather [hbm4b:s18+s2], $0x200, $0x38;
	[tilespmem:$0x14200] =	vst v63  }
0x5a: {  	s21 =	simm.s32 $0x3200;
	s22 =	rddreg [dreg:$0x1f]  }
0x5b: {  	[tilespmem:s21], [sflag:$0x1] =	stream.linear.gather [hbm4b:s20+s2], $0x200, $0x38;
	[tilespmem:$0x14200] =	vst v63  }
0x5c: {  	s23 =	simm.s32 $0x3400;
	s24 =	sld [smem:$0x7FC]  }
0x5d: {  	[tilespmem:s23], [sflag:$0x1] =	stream.linear.gather [hbm4b:s22+s2], $0x200, $0x38;
	[tilespmem:$0x14200] =	vst v63  }
0x5e: {  	s25 =	simm.s32 $0x3600;
	s26 =	sld [smem:$0x7FD]  }
0x5f: {  	[tilespmem:s25], [sflag:$0x1] =	stream.linear.gather [hbm4b:s24+s2], $0x200, $0x38;
	[tilespmem:$0x14200] =	vst v63  }
0x60: {  	s28 =	simm.s32 $0x3800  }
0x61: {  	[tilespmem:s28], [sflag:$0x1] =	stream.linear.gather [hbm4b:s26+s2], $0x200, $0x38;
	[tilespmem:$0x14200] =	vst v63  }
0x62: {  	s29 =	simm.s32 $0x3A00  }
0x63: {  	[tilespmem:s29], [sflag:$0x1] =	stream.linear.gather [hbm4b:s8+s2], $0x200, $0x38;
	[tilespmem:$0x14200] =	vst v63  }
0x64: {  	s30 =	simm.s32 $0x3C00  }
0x65: {  	[tilespmem:s30], [sflag:$0x1] =	stream.linear.gather [hbm4b:s9+s2], $0x200, $0x38;
	[tilespmem:$0x14200] =	vst v63  }
0x66: {  	s31 =	simm.s32 $0x3E00  }
0x67: {  	[tilespmem:s31], [sflag:$0x1] =	stream.linear.gather [hbm4b:s10+s2], $0x200, $0x38;
	[tilespmem:$0x14200] =	vst v63  }
0x68: {  	_ =	swait.ge [sflag:s11], $0x4000  }
0x69: {  	[sflag:s11] =	ssyncset.done $0x0  }
0x6a: {  	s16 =	sand.u32 $0x1F0, s2;
	[sflag:s11] =	ssyncadd.s32 $0xFFFFC000  }
0x6b: {  	v0 =	vld [tilespmem:s16+$0x200]  }
0x6c: {  	v1 =	vld [tilespmem:s2+$0x0];
	_ =	sdelay $0x1  }
0x6d: {  	v2 =	vld [tilespmem:s16+$0x400];
	_ =	sdelay $0x1  }
0x6e: {  	v3 =	vld [tilespmem:s16+$0x600]  }
0x6f: {  	vm0 =	vgt.s32 v1, v0  }
0x70: {  	v0 =	vsel vm0, v1, v0;
	v1 =	vld [tilespmem:s16+$0x800]  }
0x71: {  	vm0 =	vgt.s32 v0, v2  }
0x72: {  	v0 =	vsel vm0, v0, v2;
	v2 =	vld [tilespmem:s16+$0xA00]  }
0x73: {  	vm0 =	vgt.s32 v0, v3  }
0x74: {  	v0 =	vsel vm0, v0, v3;
	v3 =	vld [tilespmem:s16+$0xC00]  }
0x75: {  	vm0 =	vgt.s32 v0, v1  }
0x76: {  	v0 =	vsel vm0, v0, v1;
	v1 =	vld [tilespmem:s16+$0xE00]  }
0x77: {  	vm0 =	vgt.s32 v0, v2  }
0x78: {  	v0 =	vsel vm0, v0, v2;
	v2 =	vld [tilespmem:s16+$0x1000]  }
0x79: {  	vm0 =	vgt.s32 v0, v3  }
0x7a: {  	v0 =	vsel vm0, v0, v3;
	v3 =	vld [tilespmem:s16+$0x1200]  }
0x7b: {  	vm0 =	vgt.s32 v0, v1  }
0x7c: {  	v0 =	vsel vm0, v0, v1;
	v1 =	vld [tilespmem:s16+$0x1400]  }
0x7d: {  	vm0 =	vgt.s32 v0, v2  }
0x7e: {  	v0 =	vsel vm0, v0, v2;
	v2 =	vld [tilespmem:s16+$0x1600]  }
0x7f: {  	vm0 =	vgt.s32 v0, v3  }
0x80: {  	v0 =	vsel vm0, v0, v3;
	v3 =	vld [tilespmem:s16+$0x1800]  }
0x81: {  	vm0 =	vgt.s32 v0, v1  }
0x82: {  	v0 =	vsel vm0, v0, v1;
	v1 =	vld [tilespmem:s16+$0x1A00]  }
0x83: {  	vm0 =	vgt.s32 v0, v2  }
0x84: {  	v0 =	vsel vm0, v0, v2;
	v2 =	vld [tilespmem:s16+$0x1C00]  }
0x85: {  	vm0 =	vgt.s32 v0, v3  }
0x86: {  	v0 =	vsel vm0, v0, v3;
	v3 =	vld [tilespmem:s16+$0x1E00]  }
0x87: {  	vm0 =	vgt.s32 v0, v1  }
0x88: {  	v0 =	vsel vm0, v0, v1;
	v1 =	vld [tilespmem:s16+$0x2000]  }
0x89: {  	vm0 =	vgt.s32 v0, v2  }
0x8a: {  	v0 =	vsel vm0, v0, v2;
	v2 =	vld [tilespmem:s16+$0x2200]  }
0x8b: {  	vm0 =	vgt.s32 v0, v3  }
0x8c: {  	v0 =	vsel vm0, v0, v3;
	v3 =	vld [tilespmem:s16+$0x2400]  }
0x8d: {  	vm0 =	vgt.s32 v0, v1  }
0x8e: {  	v0 =	vsel vm0, v0, v1;
	v1 =	vld [tilespmem:s16+$0x2600]  }
0x8f: {  	vm0 =	vgt.s32 v0, v2  }
0x90: {  	v0 =	vsel vm0, v0, v2;
	v2 =	vld [tilespmem:s16+$0x2800]  }
0x91: {  	vm0 =	vgt.s32 v0, v3  }
0x92: {  	v0 =	vsel vm0, v0, v3;
	v3 =	vld [tilespmem:s16+$0x2A00]  }
0x93: {  	vm0 =	vgt.s32 v0, v1  }
0x94: {  	v0 =	vsel vm0, v0, v1;
	v1 =	vld [tilespmem:s16+$0x2C00]  }
0x95: {  	vm0 =	vgt.s32 v0, v2  }
0x96: {  	v0 =	vsel vm0, v0, v2;
	v2 =	vld [tilespmem:s16+$0x2E00]  }
0x97: {  	vm0 =	vgt.s32 v0, v3  }
0x98: {  	v0 =	vsel vm0, v0, v3;
	v3 =	vld [tilespmem:s16+$0x3000]  }
0x99: {  	vm0 =	vgt.s32 v0, v1  }
0x9a: {  	v0 =	vsel vm0, v0, v1;
	v1 =	vld [tilespmem:s16+$0x3200]  }
0x9b: {  	vm0 =	vgt.s32 v0, v2  }
0x9c: {  	v0 =	vsel vm0, v0, v2;
	v2 =	vld [tilespmem:s16+$0x3400]  }
0x9d: {  	vm0 =	vgt.s32 v0, v3  }
0x9e: {  	v0 =	vsel vm0, v0, v3;
	v3 =	vld [tilespmem:s16+$0x3600]  }
0x9f: {  	vm0 =	vgt.s32 v0, v1  }
0xa0: {  	v0 =	vsel vm0, v0, v1;
	v1 =	vld [tilespmem:s16+$0x3800]  }
0xa1: {  	vm0 =	vgt.s32 v0, v2  }
0xa2: {  	v0 =	vsel vm0, v0, v2;
	v2 =	vld [tilespmem:s16+$0x3A00]  }
0xa3: {  	vm0 =	vgt.s32 v0, v3  }
0xa4: {  	v0 =	vsel vm0, v0, v3;
	v3 =	vld [tilespmem:s16+$0x3C00]  }
0xa5: {  	vm0 =	vgt.s32 v0, v1  }
0xa6: {  	v0 =	vsel vm0, v0, v1;
	v1 =	vld [tilespmem:s16+$0x3E00]  }
0xa7: {  	vm0 =	vgt.s32 v0, v2  }
0xa8: {  	v0 =	vsel vm0, v0, v2  }
0xa9: {  	vm0 =	vgt.s32 v0, v3  }
0xaa: {  	v0 =	vsel vm0, v0, v3  }
0xab: {  	vm0 =	vgt.s32 v0, v1  }
0xac: {  	s18 =	simm.s32 $0x10;
	v0 =	vsel vm0, v0, v1  }
0xad: {  	s17 =	sand.u32 $0x1F0, s18;
	[tilespmem:s14+$0x0] =	vst v0  }
0xae: {  	s19 =	simm.s32 $0x20;
	s16 =	simm.s32 $0x4000;
	v0 =	vld [tilespmem:s17+$0x200]  }
.LBB2_2:
0xaf: {  	p0 =	sne.s32 s19, $0x1F0;
	v1 =	vld [tilespmem:s18+$0x0];
	_ =	sdelay $0x1  }
0xb0: {  	v2 =	vld [tilespmem:s17+$0x400];
	_ =	sdelay $0x1  }
0xb1: {  	v3 =	vld [tilespmem:s17+$0x600]  }
0xb2: {  	vm0 =	vgt.s32 v1, v0  }
0xb3: {  	v0 =	vsel vm0, v1, v0;
	v1 =	vld [tilespmem:s17+$0x800]  }
0xb4: {  	vm0 =	vgt.s32 v0, v2  }
0xb5: {  	v0 =	vsel vm0, v0, v2;
	v2 =	vld [tilespmem:s17+$0xA00]  }
0xb6: {  	vm0 =	vgt.s32 v0, v3  }
0xb7: {  	v0 =	vsel vm0, v0, v3;
	v3 =	vld [tilespmem:s17+$0xC00]  }
0xb8: {  	vm0 =	vgt.s32 v0, v1  }
0xb9: {  	v0 =	vsel vm0, v0, v1;
	v1 =	vld [tilespmem:s17+$0xE00]  }
0xba: {  	vm0 =	vgt.s32 v0, v2  }
0xbb: {  	v0 =	vsel vm0, v0, v2;
	v2 =	vld [tilespmem:s17+$0x1000]  }
0xbc: {  	vm0 =	vgt.s32 v0, v3  }
0xbd: {  	v0 =	vsel vm0, v0, v3;
	v3 =	vld [tilespmem:s17+$0x1200]  }
0xbe: {  	vm0 =	vgt.s32 v0, v1  }
0xbf: {  	v0 =	vsel vm0, v0, v1;
	v1 =	vld [tilespmem:s17+$0x1400]  }
0xc0: {  	vm0 =	vgt.s32 v0, v2  }
0xc1: {  	v0 =	vsel vm0, v0, v2;
	v2 =	vld [tilespmem:s17+$0x1600]  }
0xc2: {  	vm0 =	vgt.s32 v0, v3  }
0xc3: {  	v0 =	vsel vm0, v0, v3;
	v3 =	vld [tilespmem:s17+$0x1800]  }
0xc4: {  	vm0 =	vgt.s32 v0, v1  }
0xc5: {  	v0 =	vsel vm0, v0, v1;
	v1 =	vld [tilespmem:s17+$0x1A00]  }
0xc6: {  	vm0 =	vgt.s32 v0, v2  }
0xc7: {  	v0 =	vsel vm0, v0, v2;
	v2 =	vld [tilespmem:s17+$0x1C00]  }
0xc8: {  	vm0 =	vgt.s32 v0, v3  }
0xc9: {  	v0 =	vsel vm0, v0, v3;
	v3 =	vld [tilespmem:s17+$0x1E00]  }
0xca: {  	vm0 =	vgt.s32 v0, v1  }
0xcb: {  	v0 =	vsel vm0, v0, v1;
	v1 =	vld [tilespmem:s17+$0x2000]  }
0xcc: {  	vm0 =	vgt.s32 v0, v2  }
0xcd: {  	v0 =	vsel vm0, v0, v2;
	v2 =	vld [tilespmem:s17+$0x2200]  }
0xce: {  	vm0 =	vgt.s32 v0, v3  }
0xcf: {  	v0 =	vsel vm0, v0, v3;
	v3 =	vld [tilespmem:s17+$0x2400]  }
0xd0: {  	vm0 =	vgt.s32 v0, v1  }
0xd1: {  	v0 =	vsel vm0, v0, v1;
	v1 =	vld [tilespmem:s17+$0x2600]  }
0xd2: {  	vm0 =	vgt.s32 v0, v2  }
0xd3: {  	v0 =	vsel vm0, v0, v2;
	v2 =	vld [tilespmem:s17+$0x2800]  }
0xd4: {  	vm0 =	vgt.s32 v0, v3  }
0xd5: {  	v0 =	vsel vm0, v0, v3;
	v3 =	vld [tilespmem:s17+$0x2A00]  }
0xd6: {  	vm0 =	vgt.s32 v0, v1  }
0xd7: {  	v0 =	vsel vm0, v0, v1;
	v1 =	vld [tilespmem:s17+$0x2C00]  }
0xd8: {  	vm0 =	vgt.s32 v0, v2  }
0xd9: {  	v0 =	vsel vm0, v0, v2;
	v2 =	vld [tilespmem:s17+$0x2E00]  }
0xda: {  	vm0 =	vgt.s32 v0, v3  }
0xdb: {  	v0 =	vsel vm0, v0, v3;
	v3 =	vld [tilespmem:s17+$0x3000]  }
0xdc: {  	vm0 =	vgt.s32 v0, v1  }
0xdd: {  	v0 =	vsel vm0, v0, v1;
	v1 =	vld [tilespmem:s17+$0x3200]  }
0xde: {  	vm0 =	vgt.s32 v0, v2  }
0xdf: {  	v0 =	vsel vm0, v0, v2;
	v2 =	vld [tilespmem:s17+$0x3400]  }
0xe0: {  	vm0 =	vgt.s32 v0, v3  }
0xe1: {  	v0 =	vsel vm0, v0, v3;
	v3 =	vld [tilespmem:s17+$0x3600]  }
0xe2: {  	vm0 =	vgt.s32 v0, v1  }
0xe3: {  	v0 =	vsel vm0, v0, v1;
	v1 =	vld [tilespmem:s17+$0x3800]  }
0xe4: {  	vm0 =	vgt.s32 v0, v2  }
0xe5: {  	v0 =	vsel vm0, v0, v2;
	v2 =	vld [tilespmem:s17+$0x3A00]  }
0xe6: {  	vm0 =	vgt.s32 v0, v3  }
0xe7: {  	v0 =	vsel vm0, v0, v3;
	v3 =	vld [tilespmem:s17+$0x3C00]  }
0xe8: {  	vm0 =	vgt.s32 v0, v1  }
0xe9: {  	v0 =	vsel vm0, v0, v1;
	v1 =	vld [tilespmem:s17+$0x3E00]  }
0xea: {  	vm0 =	vgt.s32 v0, v2  }
0xeb: {  	v0 =	vsel vm0, v0, v2  }
0xec: {  	vm0 =	vgt.s32 v0, v3  }
.Ltmp0:
0xed: {  	v0 =	vsel vm0, v0, v3;
	(pc) =	sbr.rel @p0 .LBB2_2-.Ltmp0, $4  }
0xee: {  	vm0 =	vgt.s32 v0, v1  }
0xef: {  	s16 =	sadd.s32 $0x10, s16;
	v0 =	vsel vm0, v0, v1  }
0xf0: {  	s17 =	sand.u32 $0x1F0, s19;
	[tilespmem:s16+$0x0] =	vst v0  }
0xf1: {  	s18 =	sadd.s32 $0x10, s18;
	s19 =	sadd.s32 $0x10, s19;
	v0 =	vld [tilespmem:s17+$0x200]  }
0xf2: {  	v1 =	vld [tilespmem:s18+$0x0];
	_ =	sdelay $0x1  }
0xf3: {  	v2 =	vld [tilespmem:s17+$0x400];
	_ =	sdelay $0x1  }
0xf4: {  	v3 =	vld [tilespmem:s17+$0x600]  }
0xf5: {  	vm0 =	vgt.s32 v1, v0  }
0xf6: {  	v0 =	vsel vm0, v1, v0;
	v1 =	vld [tilespmem:s17+$0x800]  }
0xf7: {  	vm0 =	vgt.s32 v0, v2  }
0xf8: {  	v0 =	vsel vm0, v0, v2;
	v2 =	vld [tilespmem:s17+$0xA00]  }
0xf9: {  	vm0 =	vgt.s32 v0, v3  }
0xfa: {  	v0 =	vsel vm0, v0, v3;
	v3 =	vld [tilespmem:s17+$0xC00]  }
0xfb: {  	vm0 =	vgt.s32 v0, v1  }
0xfc: {  	v0 =	vsel vm0, v0, v1;
	v1 =	vld [tilespmem:s17+$0xE00]  }
0xfd: {  	vm0 =	vgt.s32 v0, v2  }
0xfe: {  	v0 =	vsel vm0, v0, v2;
	v2 =	vld [tilespmem:s17+$0x1000]  }
0xff: {  	vm0 =	vgt.s32 v0, v3  }
0x100: {  	v0 =	vsel vm0, v0, v3;
	v3 =	vld [tilespmem:s17+$0x1200]  }
0x101: {  	vm0 =	vgt.s32 v0, v1  }
0x102: {  	v0 =	vsel vm0, v0, v1;
	v1 =	vld [tilespmem:s17+$0x1400]  }
0x103: {  	vm0 =	vgt.s32 v0, v2  }
0x104: {  	v0 =	vsel vm0, v0, v2;
	v2 =	vld [tilespmem:s17+$0x1600]  }
0x105: {  	vm0 =	vgt.s32 v0, v3  }
0x106: {  	v0 =	vsel vm0, v0, v3;
	v3 =	vld [tilespmem:s17+$0x1800]  }
0x107: {  	vm0 =	vgt.s32 v0, v1  }
0x108: {  	v0 =	vsel vm0, v0, v1;
	v1 =	vld [tilespmem:s17+$0x1A00]  }
0x109: {  	vm0 =	vgt.s32 v0, v2  }
0x10a: {  	v0 =	vsel vm0, v0, v2;
	v2 =	vld [tilespmem:s17+$0x1C00]  }
0x10b: {  	vm0 =	vgt.s32 v0, v3  }
0x10c: {  	v0 =	vsel vm0, v0, v3;
	v3 =	vld [tilespmem:s17+$0x1E00]  }
0x10d: {  	vm0 =	vgt.s32 v0, v1  }
0x10e: {  	v0 =	vsel vm0, v0, v1;
	v1 =	vld [tilespmem:s17+$0x2000]  }
0x10f: {  	vm0 =	vgt.s32 v0, v2  }
0x110: {  	v0 =	vsel vm0, v0, v2;
	v2 =	vld [tilespmem:s17+$0x2200]  }
0x111: {  	vm0 =	vgt.s32 v0, v3  }
0x112: {  	v0 =	vsel vm0, v0, v3;
	v3 =	vld [tilespmem:s17+$0x2400]  }
0x113: {  	vm0 =	vgt.s32 v0, v1  }
0x114: {  	v0 =	vsel vm0, v0, v1;
	v1 =	vld [tilespmem:s17+$0x2600]  }
0x115: {  	vm0 =	vgt.s32 v0, v2  }
0x116: {  	v0 =	vsel vm0, v0, v2;
	v2 =	vld [tilespmem:s17+$0x2800]  }
0x117: {  	vm0 =	vgt.s32 v0, v3  }
0x118: {  	v0 =	vsel vm0, v0, v3;
	v3 =	vld [tilespmem:s17+$0x2A00]  }
0x119: {  	vm0 =	vgt.s32 v0, v1  }
0x11a: {  	v0 =	vsel vm0, v0, v1;
	v1 =	vld [tilespmem:s17+$0x2C00]  }
0x11b: {  	vm0 =	vgt.s32 v0, v2  }
0x11c: {  	v0 =	vsel vm0, v0, v2;
	v2 =	vld [tilespmem:s17+$0x2E00]  }
0x11d: {  	vm0 =	vgt.s32 v0, v3  }
0x11e: {  	v0 =	vsel vm0, v0, v3;
	v3 =	vld [tilespmem:s17+$0x3000]  }
0x11f: {  	vm0 =	vgt.s32 v0, v1  }
0x120: {  	v0 =	vsel vm0, v0, v1;
	v1 =	vld [tilespmem:s17+$0x3200]  }
0x121: {  	vm0 =	vgt.s32 v0, v2  }
0x122: {  	v0 =	vsel vm0, v0, v2;
	v2 =	vld [tilespmem:s17+$0x3400]  }
0x123: {  	vm0 =	vgt.s32 v0, v3  }
0x124: {  	v0 =	vsel vm0, v0, v3;
	v3 =	vld [tilespmem:s17+$0x3600]  }
0x125: {  	vm0 =	vgt.s32 v0, v1  }
0x126: {  	v0 =	vsel vm0, v0, v1;
	v1 =	vld [tilespmem:s17+$0x3800]  }
0x127: {  	vm0 =	vgt.s32 v0, v2  }
0x128: {  	v0 =	vsel vm0, v0, v2;
	v2 =	vld [tilespmem:s17+$0x3A00]  }
0x129: {  	vm0 =	vgt.s32 v0, v3  }
0x12a: {  	v0 =	vsel vm0, v0, v3;
	v3 =	vld [tilespmem:s17+$0x3C00]  }
0x12b: {  	vm0 =	vgt.s32 v0, v1  }
0x12c: {  	v0 =	vsel vm0, v0, v1;
	v1 =	vld [tilespmem:s17+$0x3E00]  }
0x12d: {  	vm0 =	vgt.s32 v0, v2  }
0x12e: {  	v0 =	vsel vm0, v0, v2  }
0x12f: {  	vm0 =	vgt.s32 v0, v3  }
0x130: {  	v0 =	vsel vm0, v0, v3  }
0x131: {  	vm0 =	vgt.s32 v0, v1  }
0x132: {  	s16 =	sadd.s32 $0x10, s16;
	v0 =	vsel vm0, v0, v1  }
0x133: {  	s17 =	simm.s32 $0x4000;
	[tilespmem:s16+$0x0] =	vst v0  }
0x134: {  	v0 =	vld [tilespmem:s17+$0x0];
	_ =	sdelay $0x4  }
0x135: {  	vm15 =	vgt.s32 v0, $0x0  }
0x136: {  	v0 =	vnsel vm15, $0x0, v0  }
0x137: {  	v0 =	vshll.u32 v0, $0x4  }
0x138: {  	(v2sf) =	vpush v0, $0x0  }
0x139: {  	(v2sf) =	vpush v0, $0x1  }
0x13a: {  	(v2sf) =	vpush v0, $0x2;
	_ =	sdelay $0x1  }
0x13b: {  	(v2sf) =	vpush v0, $0x4;
	_ =	sdelay $0x1  }
0x13c: {  	(v2sf) =	vpush v0, $0x3  }
0x13d: {  	(v2sf) =	vpush v0, $0x5  }
0x13e: {  	s18 =	simm.s32 $0x2000;
	s16 =	simm.s32 $0x0;
	(v2sf) =	vpush v0, $0x6  }
.LBB2_4:
0x13f: {  	p0 =	sne.s32 s18, $0x3E000  }
0x140: {  	s29 =	sadd.s32 $0x4280, s16;
	s22 =	sadd.s32 $0x4780, s16;
	s19 =	smov.u32 s18  }
0x141: {  	s18 =	sadd.s32 $0x2000, s18;
	s25 =	sadd.s32 $0x4580, s16;
	s20 =	sadd.s32 $0x4800, s16;
	(v2sf) =	vpush v0, $0x7  }
0x142: {  	s28 =	sadd.s32 $0x4480, s16;
	s24 =	sadd.s32 $0x4600, s16;
	s21 =	sadd.s32 $0x4880, s16  }
0x143: {  	s30 =	sadd.s32 $0x4200, s16;
	s31 =	sadd.s32 $0x4400, s16;
	(v2sf) =	vpush v0, $0x8  }
0x144: {  	s0 =	sadd.s32 $0x4500, s16;
	s17 =	sadd.s32 $0x10, s17  }
0x145: {  	s1 =	sadd.s32 $0x4300, s16;
	s23 =	sadd.s32 $0x4700, s16;
	s26 =	spop (v2sf);
	(v2sf) =	vpush v0, $0x9  }
0x146: {  	s5 =	sand.u32 $0x1FFFFFF0, s26;
	s26 =	sadd.s32 $0x4680, s16;
	s6 =	spop (v2sf)  }
0x147: {  	s5 =	sadd.s32 s3, s5;
	s6 =	sand.u32 $0x1FFFFFF0, s6;
	s7 =	spop (v2sf);
	(v2sf) =	vpush v0, $0xA  }
0x148: {  	[tilespmem:s30], [sflag:$0x2] =	stream.linear.gather [hbm4b:s5+s2], $0x80, $0x38;
	[tilespmem:$0x14200] =	vst v63  }
0x149: {  	s5 =	sadd.s32 s3, s6;
	s6 =	sadd.s32 $0x4380, s16;
	s30 =	spop (v2sf);
	(v2sf) =	vpush v0, $0xB  }
0x14a: {  	[tilespmem:s29], [sflag:$0x2] =	stream.linear.gather [hbm4b:s5+s2], $0x80, $0x38;
	[tilespmem:$0x14200] =	vst v63  }
0x14b: {  	s5 =	sand.u32 $0x1FFFFFF0, s7;
	s7 =	sand.u32 $0x1FFFFFF0, s30;
	s29 =	spop (v2sf);
	(v2sf) =	vpush v0, $0xC  }
0x14c: {  	s5 =	sadd.s32 s3, s5;
	s29 =	sand.u32 $0x1FFFFFF0, s29;
	s30 =	spop (v2sf)  }
0x14d: {  	[tilespmem:s1], [sflag:$0x2] =	stream.linear.gather [hbm4b:s5+s2], $0x80, $0x38;
	(v2sf) =	vpush v0, $0xD;
	[tilespmem:$0x14200] =	vst v63  }
0x14e: {  	s1 =	sadd.s32 s3, s29;
	s5 =	sand.u32 $0x1FFFFFF0, s30;
	s29 =	spop (v2sf)  }
0x14f: {  	[tilespmem:s6], [sflag:$0x2] =	stream.linear.gather [hbm4b:s1+s2], $0x80, $0x38;
	(v2sf) =	vpush v0, $0xE;
	[tilespmem:$0x14200] =	vst v63  }
0x150: {  	s1 =	sadd.s32 s3, s7;
	s6 =	sand.u32 $0x1FFFFFF0, s29;
	s7 =	spop (v2sf)  }
0x151: {  	[tilespmem:s31], [sflag:$0x2] =	stream.linear.gather [hbm4b:s1+s2], $0x80, $0x38;
	(v2sf) =	vpush v0, $0xF;
	[tilespmem:$0x14200] =	vst v63  }
0x152: {  	s1 =	sadd.s32 s3, s5;
	s5 =	sand.u32 $0x1FFFFFF0, s7;
	s7 =	spop (v2sf)  }
0x153: {  	[tilespmem:s28], [sflag:$0x2] =	stream.linear.gather [hbm4b:s1+s2], $0x80, $0x38;
	[tilespmem:$0x14200] =	vst v63  }
0x154: {  	s1 =	sadd.s32 s3, s6;
	s6 =	sand.u32 $0x1FFFFFF0, s7;
	s7 =	spop (v2sf)  }
0x155: {  	[tilespmem:s0], [sflag:$0x2] =	stream.linear.gather [hbm4b:s1+s2], $0x80, $0x38;
	[tilespmem:$0x14200] =	vst v63  }
0x156: {  	s0 =	sadd.s32 s3, s5;
	s1 =	sand.u32 $0x1FFFFFF0, s7;
	s5 =	spop (v2sf)  }
0x157: {  	[tilespmem:s25], [sflag:$0x2] =	stream.linear.gather [hbm4b:s0+s2], $0x80, $0x38;
	[tilespmem:$0x14200] =	vst v63  }
0x158: {  	s0 =	sadd.s32 s3, s6;
	s5 =	sand.u32 $0x1FFFFFF0, s5;
	s6 =	spop (v2sf)  }
0x159: {  	[tilespmem:s24], [sflag:$0x2] =	stream.linear.gather [hbm4b:s0+s2], $0x80, $0x38;
	[tilespmem:$0x14200] =	vst v63  }
0x15a: {  	s0 =	sadd.s32 s3, s1;
	s1 =	sand.u32 $0x1FFFFFF0, s6;
	s6 =	spop (v2sf)  }
0x15b: {  	[tilespmem:s26], [sflag:$0x2] =	stream.linear.gather [hbm4b:s0+s2], $0x80, $0x38;
	[tilespmem:$0x14200] =	vst v63  }
0x15c: {  	s0 =	sadd.s32 s3, s5;
	s5 =	sand.u32 $0x1FFFFFF0, s6;
	s6 =	spop (v2sf)  }
0x15d: {  	[tilespmem:s23], [sflag:$0x2] =	stream.linear.gather [hbm4b:s0+s2], $0x80, $0x38;
	[tilespmem:$0x14200] =	vst v63  }
0x15e: {  	s0 =	sadd.s32 s3, s1;
	s1 =	sand.u32 $0x1FFFFFF0, s6;
	s6 =	spop (v2sf)  }
0x15f: {  	[tilespmem:s22], [sflag:$0x2] =	stream.linear.gather [hbm4b:s0+s2], $0x80, $0x38;
	[tilespmem:$0x14200] =	vst v63  }
0x160: {  	s0 =	sadd.s32 s3, s5;
	s5 =	sand.u32 $0x1FFFFFF0, s6;
	s6 =	spop (v2sf)  }
0x161: {  	[tilespmem:s20], [sflag:$0x2] =	stream.linear.gather [hbm4b:s0+s2], $0x80, $0x38;
	[tilespmem:$0x14200] =	vst v63  }
0x162: {  	s0 =	sadd.s32 s3, s1;
	s1 =	sand.u32 $0x1FFFFFF0, s6  }
0x163: {  	[tilespmem:s21], [sflag:$0x2] =	stream.linear.gather [hbm4b:s0+s2], $0x80, $0x38;
	[tilespmem:$0x14200] =	vst v63  }
0x164: {  	s5 =	sadd.s32 s3, s5;
	s0 =	sadd.s32 $0x4900, s16  }
0x165: {  	[tilespmem:s0], [sflag:$0x2] =	stream.linear.gather [hbm4b:s5+s2], $0x80, $0x38;
	[tilespmem:$0x14200] =	vst v63  }
0x166: {  	s1 =	sadd.s32 s3, s1;
	s0 =	sadd.s32 $0x4980, s16  }
0x167: {  	[tilespmem:s0], [sflag:$0x2] =	stream.linear.gather [hbm4b:s1+s2], $0x80, $0x38;
	[tilespmem:$0x14200] =	vst v63  }
0x168: {  	v0 =	vld [tilespmem:s17+$0x0];
	_ =	sdelay $0x4  }
0x169: {  	vm0 =	vgt.s32 v0, $0x0  }
0x16a: {  	v0 =	vnsel vm0, $0x0, v0  }
0x16b: {  	v0 =	vshll.u32 v0, $0x4  }
0x16c: {  	(v2sf) =	vpush v0, $0x0  }
0x16d: {  	(v2sf) =	vpush v0, $0x1  }
0x16e: {  	(v2sf) =	vpush v0, $0x2;
	_ =	sdelay $0x1  }
0x16f: {  	(v2sf) =	vpush v0, $0x4  }
.Ltmp1:
0x170: {  	(pc) =	sbr.rel @p0 .LBB2_4-.Ltmp1, $3  }
0x171: {  	(v2sf) =	vpush v0, $0x3  }
0x172: {  	(v2sf) =	vpush v0, $0x5;
	_ =	sdelay $0x1  }
0x173: {  	s16 =	sshra.s32 s19, $0x2;
	(v2sf) =	vpush v0, $0x6  }
0x174: {  	_ =	sdelay $0x5  }
0x175: {  	s0 =	spop (v2sf)  }
0x176: {  	s1 =	spop (v2sf)  }
0x177: {  	s6 =	spop (v2sf)  }
0x178: {  	s18 =	spop (v2sf);
	(v2sf) =	vpush v0, $0x7  }
0x179: {  	s0 =	sand.u32 $0x1FFFFFF0, s0  }
0x17a: {  	s5 =	sadd.s32 $0x4200, s16;
	s0 =	sadd.s32 s3, s0  }
0x17b: {  	[tilespmem:s5], [sflag:$0x2] =	stream.linear.gather [hbm4b:s0+s2], $0x80, $0x38;
	[tilespmem:$0x14200] =	vst v63  }
0x17c: {  	s1 =	sand.u32 $0x1FFFFFF0, s1;
	s19 =	spop (v2sf);
	(v2sf) =	vpush v0, $0x8  }
0x17d: {  	s5 =	sadd.s32 $0x4280, s16;
	s1 =	sadd.s32 s3, s1  }
0x17e: {  	[tilespmem:s5], [sflag:$0x2] =	stream.linear.gather [hbm4b:s1+s2], $0x80, $0x38;
	[tilespmem:$0x14200] =	vst v63  }
0x17f: {  	s7 =	sand.u32 $0x1FFFFFF0, s6;
	s23 =	spop (v2sf);
	(v2sf) =	vpush v0, $0x9  }
0x180: {  	s17 =	sadd.s32 $0x4300, s16;
	s0 =	sadd.s32 s3, s7  }
0x181: {  	[tilespmem:s17], [sflag:$0x2] =	stream.linear.gather [hbm4b:s0+s2], $0x80, $0x38;
	[tilespmem:$0x14200] =	vst v63  }
0x182: {  	s0 =	sand.u32 $0x1FFFFFF0, s19;
	s25 =	spop (v2sf);
	(v2sf) =	vpush v0, $0xA  }
0x183: {  	s20 =	sadd.s32 $0x4380, s16;
	s21 =	sand.u32 $0x1FFFFFF0, s18;
	s0 =	sadd.s32 s3, s0  }
0x184: {  	[tilespmem:s20], [sflag:$0x2] =	stream.linear.gather [hbm4b:s0+s2], $0x80, $0x38;
	[tilespmem:$0x14200] =	vst v63  }
0x185: {  	s22 =	sadd.s32 $0x4400, s16;
	s0 =	sadd.s32 s3, s21  }
0x186: {  	[tilespmem:s22], [sflag:$0x2] =	stream.linear.gather [hbm4b:s0+s2], $0x80, $0x38;
	[tilespmem:$0x14200] =	vst v63  }
0x187: {  	s0 =	sand.u32 $0x1FFFFFF0, s23;
	s28 =	spop (v2sf);
	(v2sf) =	vpush v0, $0xB  }
0x188: {  	s24 =	sadd.s32 $0x4480, s16;
	s0 =	sadd.s32 s3, s0  }
0x189: {  	[tilespmem:s24], [sflag:$0x2] =	stream.linear.gather [hbm4b:s0+s2], $0x80, $0x38;
	[tilespmem:$0x14200] =	vst v63  }
0x18a: {  	s0 =	sand.u32 $0x1FFFFFF0, s25  }
0x18b: {  	s26 =	sadd.s32 $0x4500, s16;
	s0 =	sadd.s32 s3, s0;
	s30 =	spop (v2sf);
	(v2sf) =	vpush v0, $0xC  }
0x18c: {  	[tilespmem:s26], [sflag:$0x2] =	stream.linear.gather [hbm4b:s0+s2], $0x80, $0x38;
	[tilespmem:$0x14200] =	vst v63  }
0x18d: {  	s0 =	sand.u32 $0x1FFFFFF0, s28  }
0x18e: {  	s29 =	sadd.s32 $0x4580, s16;
	s0 =	sadd.s32 s3, s0;
	s1 =	spop (v2sf);
	(v2sf) =	vpush v0, $0xD  }
0x18f: {  	[tilespmem:s29], [sflag:$0x2] =	stream.linear.gather [hbm4b:s0+s2], $0x80, $0x38;
	[tilespmem:$0x14200] =	vst v63  }
0x190: {  	s0 =	sand.u32 $0x1FFFFFF0, s30  }
0x191: {  	s31 =	sadd.s32 $0x4600, s16;
	s0 =	sadd.s32 s3, s0;
	s6 =	spop (v2sf);
	(v2sf) =	vpush v0, $0xE  }
0x192: {  	[tilespmem:s31], [sflag:$0x2] =	stream.linear.gather [hbm4b:s0+s2], $0x80, $0x38;
	[tilespmem:$0x14200] =	vst v63  }
0x193: {  	s0 =	sand.u32 $0x1FFFFFF0, s1  }
0x194: {  	s5 =	sadd.s32 $0x4680, s16;
	s0 =	sadd.s32 s3, s0  }
0x195: {  	[tilespmem:s5], [sflag:$0x2] =	stream.linear.gather [hbm4b:s0+s2], $0x80, $0x38;
	[tilespmem:$0x14200] =	vst v63  }
0x196: {  	s0 =	sand.u32 $0x1FFFFFF0, s6;
	s17 =	spop (v2sf);
	(v2sf) =	vpush v0, $0xF  }
0x197: {  	s7 =	sadd.s32 $0x4700, s16;
	s0 =	sadd.s32 s3, s0  }
0x198: {  	[tilespmem:s7], [sflag:$0x2] =	stream.linear.gather [hbm4b:s0+s2], $0x80, $0x38;
	[tilespmem:$0x14200] =	vst v63  }
0x199: {  	s0 =	sand.u32 $0x1FFFFFF0, s17  }
0x19a: {  	s18 =	sadd.s32 $0x4780, s16;
	s0 =	sadd.s32 s3, s0;
	s19 =	spop (v2sf)  }
0x19b: {  	[tilespmem:s18], [sflag:$0x2] =	stream.linear.gather [hbm4b:s0+s2], $0x80, $0x38;
	[tilespmem:$0x14200] =	vst v63  }
0x19c: {  	s0 =	sand.u32 $0x1FFFFFF0, s19  }
0x19d: {  	s20 =	sadd.s32 $0x4800, s16;
	s21 =	spop (v2sf);
	s0 =	sadd.s32 s3, s0  }
0x19e: {  	[tilespmem:s20], [sflag:$0x2] =	stream.linear.gather [hbm4b:s0+s2], $0x80, $0x38;
	[tilespmem:$0x14200] =	vst v63  }
0x19f: {  	s0 =	sand.u32 $0x1FFFFFF0, s21  }
0x1a0: {  	s22 =	sadd.s32 $0x4880, s16;
	s23 =	spop (v2sf);
	s0 =	sadd.s32 s3, s0  }
0x1a1: {  	[tilespmem:s22], [sflag:$0x2] =	stream.linear.gather [hbm4b:s0+s2], $0x80, $0x38;
	[tilespmem:$0x14200] =	vst v63  }
0x1a2: {  	s0 =	sand.u32 $0x1FFFFFF0, s23  }
0x1a3: {  	s24 =	sadd.s32 $0x4900, s16;
	s0 =	sadd.s32 s3, s0  }
0x1a4: {  	[tilespmem:s24], [sflag:$0x2] =	stream.linear.gather [hbm4b:s0+s2], $0x80, $0x38;
	[tilespmem:$0x14200] =	vst v63  }
0x1a5: {  	s25 =	spop (v2sf)  }
0x1a6: {  	s0 =	sand.u32 $0x1FFFFFF0, s25  }
0x1a7: {  	s26 =	sadd.s32 $0x4980, s16;
	s0 =	sadd.s32 s3, s0  }
0x1a8: {  	[tilespmem:s26], [sflag:$0x2] =	stream.linear.gather [hbm4b:s0+s2], $0x80, $0x38;
	[tilespmem:$0x14200] =	vst v63  }
0x1a9: {  	_ =	swait.ge [sflag:s12], $0x10000  }
0x1aa: {  	[sflag:s12] =	ssyncset.done $0x0  }
0x1ab: {  	s29 =	simm.s32 $0x4200;
	s28 =	rddreg [dreg:$0x15];
	[sflag:s12] =	ssyncadd.s32 $0xFFFF0000  }
0x1ac: {  	[hbm4b:s28+s2] =	stream.linear.scatter [tilespmem:s29], [sflag:$0x3], $0x10000, $0x38;
	[tilespmem:$0x14200] =	vst v63  }
0x1ad: {  	_ =	swait.ge [sflag:s13], $0x10000  }
0x1ae: {  	[sflag:s13] =	ssyncset.done $0x0  }
0x1af: {  	s30 =	rddreg [dreg:$0x16];
	[sflag:s13] =	ssyncadd.s32 $0xFFFF0000  }
0x1b0: {  	[hbm4b:s30+s2] =	stream.linear.scatter [tilespmem:s14], [sflag:$0x3], $0x200, $0x38;
	[tilespmem:$0x14200] =	vst v63  }
0x1b1: {  	_ =	swait.ge [sflag:s13], $0x200  }
0x1b2: {  	s15 =	sadd.s32 $0x1, s15;
	s31 =	rddreg [dreg:$0x17]  }
0x1b3: {  	p0 =	sne.s32 s15, s31  }
.Ltmp2:
0x1b4: {  	_ = 	snop;
	(pc) =	sbr.rel @p0 .LBB2_1-.Ltmp2, $3  }
0x1b5: {  	_ =	sdelay $0x1  }
0x1b6: {  	[sflag:s13] =	ssyncset.done $0x0  }
0x1b7: {  	[sflag:s13] =	ssyncadd.s32 $0xFFFFFE00  }
0x1b8: {  	_ =	sfence.sel $0x180000  }
0x1b9: {  	[bflag:$0x0] =	sbarrier.arrive $0xFFFF  }
0x1ba: {  	_ =	strace $0x9000004A  }
0x1bb: {  	s0 =	stileid.u32;
	[bflag:$0x2] =	sbarrier.arrive $0xFFFF  }
0x1bc: {  	p0 =	sne.s32 s0, $0x0;
	s0 =	rddreg [dreg:$0x2]  }
0x1bd: {  	s0 =	sadd.s32 @!p0 $0x100000, s0  }
0x1be: {  	[sflag:s0] =	ssyncadd.tile.s32 @!p0 $0x1;
	_ =	shalt  }
.Lfunc_end2:
_tile_overlayer_lowered:
.L_overlay_start_2:
0x1bf: {  	(tag) =	ssettag $0x2  }
0x1c0: {  	s0 =	rddreg [dreg:$0x0];
	s2 =	stileid.u32  }
0x1c1: {  	s1 =	rddreg [dreg:$0x1];
	p0 =	sne.s32 s2, $0x0  }
0x1c2: {  	s3 =	rddreg [dreg:$0x2];
	[bflag:$0x3] =	sbarrier.arrive $0xFFFF;
	s2 =	simm.s32 @!p0 $0x1C03  }
0x1c3: {  	[timem:s3], [sflag:s2] =	dma.local @!p0 [hbm:s0], s1  }
0x1c4: {  	s0 =	simm.s32 @!p0 $0x3  }
0x1c5: {  	_ =	swait.ge @!p0 [sflag:s0], s1  }
0x1c6: {  	s1 =	ssub.s32 @!p0 $0x0, s1;
	[sflag:s0] =	ssyncset.done @!p0 $0x0  }
0x1c7: {  	[sflag:s0] =	ssyncadd.s32 @!p0 s1  }
0x1c8: {  	[bflag:$0x3] =	sbarrier.arrive $0xFFFF  }
0x1c9: {  	_ =	shalt  }

</sc_bundles>
